<compile_context>
chip_gen: v7x
topology: tpu7x:2x2x1
jax: 0.10.2.dev20260603
libtpu: 0.0.44.dev20260713+nightly
codegen_flags: <defaults>
</compile_context>

<pallas_src>
import functools

import jax
import jax.numpy as jnp
from jax import lax
from jax.experimental import pallas as pl
from jax.experimental.pallas import tpu as pltpu
from jax.experimental.pallas import tpu_sc as plsc

BLOCK = 256
NC, NS = 2, 16
NW = NC * NS


def _mlp_body(be_ref, x_ref, w_ref, gate_ref, up_ref, down_ref, out_ref):
    del be_ref
    x = x_ref[...]
    g = lax.dot_general(x, gate_ref[0], (((1,), (1,)), ((), ())),
                        preferred_element_type=jnp.float32)
    u = lax.dot_general(x, up_ref[0], (((1,), (1,)), ((), ())),
                        preferred_element_type=jnp.float32)
    a = (g * jax.nn.sigmoid(g)) * u
    y = lax.dot_general(a, down_ref[0], (((1,), (1,)), ((), ())),
                        preferred_element_type=jnp.float32)
    out_ref[...] = y * w_ref[...]


def _make_sc_gather(P, T, H, chunk):
    rows_per_w = P // NW
    n_pairs = rows_per_w // (2 * chunk)
    mesh = plsc.VectorSubcoreMesh(core_axis_name="c", subcore_axis_name="s")

    @functools.partial(
        pl.kernel, mesh=mesh, name="sc_dispatch_gather",
        out_type=jax.ShapeDtypeStruct((P, H), jnp.float32),
        scratch_types=[
            pltpu.VMEM((2 * n_pairs, chunk), jnp.int32),
            pltpu.VMEM((chunk, H), jnp.float32),
            pltpu.VMEM((chunk, H), jnp.float32),
            pltpu.SemaphoreType.DMA,
            pltpu.SemaphoreType.DMA,
        ],
    )
    def gather_k(x_hbm, idx_hbm, out_hbm, idx_v, b0, b1, s0, s1):
        wid = lax.axis_index("s") * NC + lax.axis_index("c")
        base = wid * rows_per_w
        pltpu.sync_copy(idx_hbm.at[wid], idx_v)
        for p in range(n_pairs):
            c0 = 2 * p
            cp0 = pltpu.async_copy(x_hbm.at[idx_v.at[c0]], b0, s0)
            cp1 = pltpu.async_copy(x_hbm.at[idx_v.at[c0 + 1]], b1, s1)
            cp0.wait()
            cp1.wait()
            pltpu.sync_copy(b0, out_hbm.at[pl.ds(base + c0 * chunk, chunk)])
            pltpu.sync_copy(b1, out_hbm.at[pl.ds(base + (c0 + 1) * chunk,
                                                 chunk)])

    return gather_k


def _make_sc_combine(P, T, H, chunk):
    rows_per_w = T // NW
    n_chunks = rows_per_w // chunk
    mesh = plsc.VectorSubcoreMesh(core_axis_name="c", subcore_axis_name="s")
    HC = H // 16

    @functools.partial(
        pl.kernel, mesh=mesh, name="sc_combine",
        out_type=jax.ShapeDtypeStruct((T, H), jnp.float32),
        scratch_types=[
            pltpu.VMEM((chunk,), jnp.int32),
            pltpu.VMEM((chunk,), jnp.int32),
            pltpu.VMEM((chunk, H), jnp.float32),
            pltpu.VMEM((chunk, H), jnp.float32),
            pltpu.SemaphoreType.DMA,
        ],
    )
    def combine_k(y_hbm, pos0_hbm, pos1_hbm, out_hbm,
                  idx0_v, idx1_v, b0, b1, sem):
        wid = lax.axis_index("s") * NC + lax.axis_index("c")
        base = wid * rows_per_w
        for c in range(n_chunks):
            off = base + c * chunk
            pltpu.sync_copy(pos0_hbm.at[pl.ds(off, chunk)], idx0_v)
            pltpu.sync_copy(pos1_hbm.at[pl.ds(off, chunk)], idx1_v)
            cp0 = pltpu.async_copy(y_hbm.at[idx0_v], b0, sem)
            cp1 = pltpu.async_copy(y_hbm.at[idx1_v], b1, sem)
            cp0.wait()
            cp1.wait()

            def add_row(r, _):
                def add_vec(h, _):
                    b0[r, pl.ds(h * 16, 16)] = (b0[r, pl.ds(h * 16, 16)]
                                                + b1[r, pl.ds(h * 16, 16)])
                    return 0
                lax.fori_loop(0, HC, add_vec, 0, unroll=4)
                return 0

            lax.fori_loop(0, chunk, add_row, 0)
            pltpu.sync_copy(b0, out_hbm.at[pl.ds(off, chunk)])

    return combine_k


def kernel(hidden_states, top_k_index, top_k_weights, gate_w, up_w, down_w):
    T, H = hidden_states.shape
    E, I, _ = gate_w.shape
    K = top_k_index.shape[1]
    N = T * K
    nb = N // BLOCK + E
    P = nb * BLOCK

    e_flat = top_k_index.reshape(-1).astype(jnp.int32)
    oh = (e_flat[:, None] == jnp.arange(E, dtype=jnp.int32)[None, :]
          ).astype(jnp.int32)
    run = jnp.cumsum(oh, axis=0)
    counts = run[-1]
    rank = jnp.take_along_axis(run, e_flat[:, None], axis=1)[:, 0] - 1
    padded = ((counts + BLOCK - 1) // BLOCK) * BLOCK
    pad_start = jnp.concatenate([jnp.zeros(1, jnp.int32),
                                 jnp.cumsum(padded)[:-1].astype(jnp.int32)])
    pos_flat = (pad_start[e_flat] + rank).astype(jnp.int32)
    src_token = jnp.zeros(P, jnp.int32).at[pos_flat].set(
        jnp.arange(N, dtype=jnp.int32) // K)
    w_row = jnp.zeros((P, 1), jnp.float32).at[pos_flat, 0].set(
        top_k_weights.reshape(-1))
    pos0 = pos_flat[0::K]
    pos1 = pos_flat[1::K]
    blocks_per_e = padded // BLOCK
    block_expert = jnp.minimum(
        jnp.searchsorted(jnp.cumsum(blocks_per_e),
                         jnp.arange(nb, dtype=jnp.int32), side='right'),
        E - 1).astype(jnp.int32)

    G_CHUNK = 32
    iota_idx = (jnp.arange(P, dtype=jnp.int32) % T)
    x_sorted = _make_sc_gather(P, T, H, G_CHUNK)(
        hidden_states, iota_idx.reshape(NW, -1, G_CHUNK))

    y = pl.pallas_call(
        _mlp_body,
        grid_spec=pltpu.PrefetchScalarGridSpec(
            num_scalar_prefetch=1,
            grid=(nb,),
            in_specs=[
                pl.BlockSpec((BLOCK, H), lambda b, be: (b, 0)),
                pl.BlockSpec((BLOCK, 1), lambda b, be: (b, 0)),
                pl.BlockSpec((1, I, H), lambda b, be: (be[b], 0, 0)),
                pl.BlockSpec((1, I, H), lambda b, be: (be[b], 0, 0)),
                pl.BlockSpec((1, H, I), lambda b, be: (be[b], 0, 0)),
            ],
            out_specs=pl.BlockSpec((BLOCK, H), lambda b, be: (b, 0)),
        ),
        out_shape=jax.ShapeDtypeStruct((P, H), jnp.float32),
    )(block_expert, x_sorted, w_row, gate_w, up_w, down_w)

    out = _make_sc_combine(P, T, H, chunk=32)(y, pos0, pos1)

    del out
    return x_sorted[:T]

# --- scband reference (transcript-rebuilt; emitter-appended) ---
"""Pipeline reference for scband-unfused-gemma4-text-experts-43215960933136 (READ-ONLY COPY).

The authoritative reference and input builder live on the scoring server;
editing this copy changes nothing except your own understanding.
"""

import jax, jax.numpy as jnp
import numpy as np

T, H, I, E, K = 2048, 1024, 2048, 8, 2


def setup_inputs(seed: int = 0) -> dict:
    key = jax.random.key(seed)
    ks = jax.random.split(key, 6)
    hidden_states = jax.random.normal(ks[0], (T, H), dtype=jnp.float32)
    top_k_index = jax.random.randint(ks[1], (T, K), 0, E, dtype=jnp.int64 if jax.config.jax_enable_x64 else jnp.int32)
    top_k_weights = jax.random.uniform(ks[2], (T, K), dtype=jnp.float32)
    gate_w = jax.random.normal(ks[3], (E, I, H), dtype=jnp.float32) * 0.02
    up_w = jax.random.normal(ks[4], (E, I, H), dtype=jnp.float32) * 0.02
    down_w = jax.random.normal(ks[5], (E, H, I), dtype=jnp.float32) * 0.02
    return {
        'hidden_states': hidden_states,
        'top_k_index': top_k_index,
        'top_k_weights': top_k_weights,
        'gate_w': gate_w,
        'up_w': up_w,
        'down_w': down_w,
    }


def reference(hidden_states, top_k_index, top_k_weights, gate_w, up_w, down_w):
    # Faithful math of UnfusedGemma4TextExperts.forward with act_fn=silu.
    # For each token t and each top-k slot k routed to expert e:
    #   out[t] += w[t,k] * down_e( silu(gate_e(x[t])) * up_e(x[t]) )
    # Implemented densely over experts with a one-hot combine matrix, which
    # yields the identical result (unselected experts get zero combine weight).
    num_experts = gate_w.shape[0]
    one_hot = jax.nn.one_hot(top_k_index, num_experts, dtype=hidden_states.dtype)  # [T, K, E]
    combine = jnp.einsum('tke,tk->te', one_hot, top_k_weights)  # [T, E]
    gate = jnp.einsum('th,eih->eti', hidden_states, gate_w)  # [E, T, I]
    up = jnp.einsum('th,eih->eti', hidden_states, up_w)      # [E, T, I]
    act = jax.nn.silu(gate) * up                              # [E, T, I]
    out_e = jnp.einsum('eti,ehi->eth', act, down_w)           # [E, T, H]
    out = jnp.einsum('eth,te->th', out_e, combine)            # [T, H]
    return out

if __name__ == "__main__":
    import jax
    _d = setup_inputs()
    print(jax.jit(kernel)(*tuple(_d.values())))

</pallas_src>

<mosaic_0001>
#map = affine_map<(d0, d1) -> (0, 0)>
#map1 = affine_map<(d0, d1) -> (0, 0, 0)>
module attributes {stable_mosaic.version = 14 : i64} {
  func.func @sc_dispatch_gather(%arg0: i32, %arg1: i32, %arg2: memref<2048x1024xf32, #tpu.memory_space<hbm>>, %arg3: memref<32x6x32xi32, #tpu.memory_space<hbm>>, %arg4: memref<6144x1024xf32, #tpu.memory_space<hbm>>, %arg5: memref<6x32xi32, #tpu.memory_space<vmem>>, %arg6: memref<32x1024xf32, #tpu.memory_space<vmem>>, %arg7: memref<32x1024xf32, #tpu.memory_space<vmem>>, %arg8: memref<!tpu.dma_semaphore, #tpu.memory_space<semaphore_mem>>, %arg9: memref<!tpu.dma_semaphore, #tpu.memory_space<semaphore_mem>>) attributes {dimension_semantics = [#tpu.dimension_semantics<core_parallel>, #tpu.dimension_semantics<subcore_parallel>], iteration_bounds = array<i64: 2, 16>, scalar_prefetch = 0 : i64, scratch_operands = 5 : i64, tpu.core_type = #tpu.core_type<sc_vector_subcore>, window_params = [{transform_indices = #map}, {transform_indices = #map1}, {transform_indices = #map}]} {
    %mul3A = arith.constant 2 : i32
    %mul3A_0 = arith.muli %arg1, %mul3A : i32
    %add3A = arith.addi %mul3A_0, %arg0 : i32
    %mul3A_1 = arith.constant 192 : i32
    %mul3A_2 = arith.muli %add3A, %mul3A_1 : i32
    "tpu.region"() ({
      %run_scoped3A = tpu.sem_alloc : memref<!tpu.dma_semaphore, #tpu.memory_space<semaphore_mem>>
      %dma_start3A_97 = arith.constant 0 : i32
      %dma_start3A_98 = arith.constant 0 : i32
      %dma_start3A_99 = tpu.memref_slice %arg3[%add3A, %dma_start3A_97, %dma_start3A_98] : memref<32x6x32xi32, #tpu.memory_space<hbm>> -> memref<1x6x32xi32, #tpu.memory_space<hbm>>
      %dma_start3A_100 = tpu.memref_squeeze %dma_start3A_99 : memref<1x6x32xi32, #tpu.memory_space<hbm>> -> memref<6x32xi32, #tpu.memory_space<hbm>>
      %dma_start3A_101 = arith.constant 0 : i32
      %dma_start3A_102 = arith.constant 0 : i32
      %dma_start3A_103 = tpu.memref_slice %arg3[%add3A, %dma_start3A_101, %dma_start3A_102] : memref<32x6x32xi32, #tpu.memory_space<hbm>> -> memref<1x6x32xi32, #tpu.memory_space<hbm>>
      %dma_start3A_104 = tpu.memref_squeeze %dma_start3A_103 : memref<1x6x32xi32, #tpu.memory_space<hbm>> -> memref<6x32xi32, #tpu.memory_space<hbm>>
      tpu.enqueue_dma source(%dma_start3A_104 : memref<6x32xi32, #tpu.memory_space<hbm>>) target(%arg5 : memref<6x32xi32, #tpu.memory_space<vmem>>) target_semaphore(%run_scoped3A : memref<!tpu.dma_semaphore, #tpu.memory_space<semaphore_mem>>)
      %dma_wait3A_105 = arith.constant 0 : i32
      %dma_wait3A_106 = arith.constant 0 : i32
      %dma_wait3A_107 = tpu.memref_slice %arg3[%add3A, %dma_wait3A_105, %dma_wait3A_106] : memref<32x6x32xi32, #tpu.memory_space<hbm>> -> memref<1x6x32xi32, #tpu.memory_space<hbm>>
      %dma_wait3A_108 = tpu.memref_squeeze %dma_wait3A_107 : memref<1x6x32xi32, #tpu.memory_space<hbm>> -> memref<6x32xi32, #tpu.memory_space<hbm>>
      %dma_wait3A_109 = arith.constant 0 : i32
      %dma_wait3A_110 = arith.constant 0 : i32
      %dma_wait3A_111 = tpu.memref_slice %arg3[%add3A, %dma_wait3A_109, %dma_wait3A_110] : memref<32x6x32xi32, #tpu.memory_space<hbm>> -> memref<1x6x32xi32, #tpu.memory_space<hbm>>
      %dma_wait3A_112 = tpu.memref_squeeze %dma_wait3A_111 : memref<1x6x32xi32, #tpu.memory_space<hbm>> -> memref<6x32xi32, #tpu.memory_space<hbm>>
      tpu.wait_dma2 semaphore(%run_scoped3A : memref<!tpu.dma_semaphore, #tpu.memory_space<semaphore_mem>>) src(%dma_wait3A_112 : memref<6x32xi32, #tpu.memory_space<hbm>>) dst(%arg5 : memref<6x32xi32, #tpu.memory_space<vmem>>)
      tpu.yield
    }) : () -> ()
    %dma_start3A = arith.constant 0 : i32
    %dma_start3A_3 = arith.constant 0 : i32
    %dma_start3A_4 = tpu.memref_slice %arg5[%dma_start3A, %dma_start3A_3] : memref<6x32xi32, #tpu.memory_space<vmem>> -> memref<1x32xi32, #tpu.memory_space<vmem>>
    %dma_start3A_5 = tpu.memref_squeeze %dma_start3A_4 : memref<1x32xi32, #tpu.memory_space<vmem>> -> memref<32xi32, #tpu.memory_space<vmem>>
    %dma_start3A_6 = arith.constant 0 : i32
    %dma_start3A_7 = arith.constant 0 : i32
    %dma_start3A_8 = tpu.memref_slice %arg2[%dma_start3A_6, %dma_start3A_7] : memref<2048x1024xf32, #tpu.memory_space<hbm>> -> memref<2048x1024xf32, #tpu.memory_space<hbm>>
    tpu.enqueue_indirect_dma source(%dma_start3A_8 : memref<2048x1024xf32, #tpu.memory_space<hbm>>) target(%arg6 : memref<32x1024xf32, #tpu.memory_space<vmem>>) offsets(%dma_start3A_5 : memref<32xi32, #tpu.memory_space<vmem>>) semaphore(%arg8 : memref<!tpu.dma_semaphore, #tpu.memory_space<semaphore_mem>>)
    %dma_start3A_9 = arith.constant 1 : i32
    %dma_start3A_10 = arith.constant 0 : i32
    %dma_start3A_11 = tpu.memref_slice %arg5[%dma_start3A_9, %dma_start3A_10] : memref<6x32xi32, #tpu.memory_space<vmem>> -> memref<1x32xi32, #tpu.memory_space<vmem>>
    %dma_start3A_12 = tpu.memref_squeeze %dma_start3A_11 : memref<1x32xi32, #tpu.memory_space<vmem>> -> memref<32xi32, #tpu.memory_space<vmem>>
    %dma_start3A_13 = arith.constant 0 : i32
    %dma_start3A_14 = arith.constant 0 : i32
    %dma_start3A_15 = tpu.memref_slice %arg2[%dma_start3A_13, %dma_start3A_14] : memref<2048x1024xf32, #tpu.memory_space<hbm>> -> memref<2048x1024xf32, #tpu.memory_space<hbm>>
    tpu.enqueue_indirect_dma source(%dma_start3A_15 : memref<2048x1024xf32, #tpu.memory_space<hbm>>) target(%arg7 : memref<32x1024xf32, #tpu.memory_space<vmem>>) offsets(%dma_start3A_12 : memref<32xi32, #tpu.memory_space<vmem>>) semaphore(%arg9 : memref<!tpu.dma_semaphore, #tpu.memory_space<semaphore_mem>>)
    %dma_wait3A = arith.constant 0 : i32
    %dma_wait3A_16 = arith.constant 0 : i32
    %dma_wait3A_17 = tpu.memref_slice %arg5[%dma_wait3A, %dma_wait3A_16] : memref<6x32xi32, #tpu.memory_space<vmem>> -> memref<1x32xi32, #tpu.memory_space<vmem>>
    %dma_wait3A_18 = tpu.memref_squeeze %dma_wait3A_17 : memref<1x32xi32, #tpu.memory_space<vmem>> -> memref<32xi32, #tpu.memory_space<vmem>>
    %dma_wait3A_19 = arith.constant 0 : i32
    %dma_wait3A_20 = arith.constant 0 : i32
    %dma_wait3A_21 = tpu.memref_slice %arg2[%dma_wait3A_19, %dma_wait3A_20] : memref<2048x1024xf32, #tpu.memory_space<hbm>> -> memref<2048x1024xf32, #tpu.memory_space<hbm>>
    tpu.wait_indirect_dma semaphore(%arg8 : memref<!tpu.dma_semaphore, #tpu.memory_space<semaphore_mem>>) src(%dma_wait3A_21 : memref<2048x1024xf32, #tpu.memory_space<hbm>>) dst(%arg6 : memref<32x1024xf32, #tpu.memory_space<vmem>>)
    %dma_wait3A_22 = arith.constant 1 : i32
    %dma_wait3A_23 = arith.constant 0 : i32
    %dma_wait3A_24 = tpu.memref_slice %arg5[%dma_wait3A_22, %dma_wait3A_23] : memref<6x32xi32, #tpu.memory_space<vmem>> -> memref<1x32xi32, #tpu.memory_space<vmem>>
    %dma_wait3A_25 = tpu.memref_squeeze %dma_wait3A_24 : memref<1x32xi32, #tpu.memory_space<vmem>> -> memref<32xi32, #tpu.memory_space<vmem>>
    %dma_wait3A_26 = arith.constant 0 : i32
    %dma_wait3A_27 = arith.constant 0 : i32
    %dma_wait3A_28 = tpu.memref_slice %arg2[%dma_wait3A_26, %dma_wait3A_27] : memref<2048x1024xf32, #tpu.memory_space<hbm>> -> memref<2048x1024xf32, #tpu.memory_space<hbm>>
    tpu.wait_indirect_dma semaphore(%arg9 : memref<!tpu.dma_semaphore, #tpu.memory_space<semaphore_mem>>) src(%dma_wait3A_28 : memref<2048x1024xf32, #tpu.memory_space<hbm>>) dst(%arg7 : memref<32x1024xf32, #tpu.memory_space<vmem>>)
    %add3A_29 = arith.constant 0 : i32
    %add3A_30 = arith.addi %mul3A_2, %add3A_29 : i32
    "tpu.region"() ({
      %run_scoped3A = tpu.sem_alloc : memref<!tpu.dma_semaphore, #tpu.memory_space<semaphore_mem>>
      %dma_start3A_97 = arith.constant 0 : i32
      %dma_start3A_98 = tpu.memref_slice %arg4[%add3A_30, %dma_start3A_97] : memref<6144x1024xf32, #tpu.memory_space<hbm>> -> memref<32x1024xf32, #tpu.memory_space<hbm>>
      %dma_start3A_99 = arith.constant 0 : i32
      %dma_start3A_100 = tpu.memref_slice %arg4[%add3A_30, %dma_start3A_99] : memref<6144x1024xf32, #tpu.memory_space<hbm>> -> memref<32x1024xf32, #tpu.memory_space<hbm>>
      tpu.enqueue_dma source(%arg6 : memref<32x1024xf32, #tpu.memory_space<vmem>>) target(%dma_start3A_100 : memref<32x1024xf32, #tpu.memory_space<hbm>>) target_semaphore(%run_scoped3A : memref<!tpu.dma_semaphore, #tpu.memory_space<semaphore_mem>>)
      %dma_wait3A_101 = arith.constant 0 : i32
      %dma_wait3A_102 = tpu.memref_slice %arg4[%add3A_30, %dma_wait3A_101] : memref<6144x1024xf32, #tpu.memory_space<hbm>> -> memref<32x1024xf32, #tpu.memory_space<hbm>>
      %dma_wait3A_103 = arith.constant 0 : i32
      %dma_wait3A_104 = tpu.memref_slice %arg4[%add3A_30, %dma_wait3A_103] : memref<6144x1024xf32, #tpu.memory_space<hbm>> -> memref<32x1024xf32, #tpu.memory_space<hbm>>
      tpu.wait_dma2 semaphore(%run_scoped3A : memref<!tpu.dma_semaphore, #tpu.memory_space<semaphore_mem>>) src(%arg6 : memref<32x1024xf32, #tpu.memory_space<vmem>>) dst(%dma_wait3A_104 : memref<32x1024xf32, #tpu.memory_space<hbm>>)
      tpu.yield
    }) : () -> ()
    %add3A_31 = arith.constant 32 : i32
    %add3A_32 = arith.addi %mul3A_2, %add3A_31 : i32
    "tpu.region"() ({
      %run_scoped3A = tpu.sem_alloc : memref<!tpu.dma_semaphore, #tpu.memory_space<semaphore_mem>>
      %dma_start3A_97 = arith.constant 0 : i32
      %dma_start3A_98 = tpu.memref_slice %arg4[%add3A_32, %dma_start3A_97] : memref<6144x1024xf32, #tpu.memory_space<hbm>> -> memref<32x1024xf32, #tpu.memory_space<hbm>>
      %dma_start3A_99 = arith.constant 0 : i32
      %dma_start3A_100 = tpu.memref_slice %arg4[%add3A_32, %dma_start3A_99] : memref<6144x1024xf32, #tpu.memory_space<hbm>> -> memref<32x1024xf32, #tpu.memory_space<hbm>>
      tpu.enqueue_dma source(%arg7 : memref<32x1024xf32, #tpu.memory_space<vmem>>) target(%dma_start3A_100 : memref<32x1024xf32, #tpu.memory_space<hbm>>) target_semaphore(%run_scoped3A : memref<!tpu.dma_semaphore, #tpu.memory_space<semaphore_mem>>)
      %dma_wait3A_101 = arith.constant 0 : i32
      %dma_wait3A_102 = tpu.memref_slice %arg4[%add3A_32, %dma_wait3A_101] : memref<6144x1024xf32, #tpu.memory_space<hbm>> -> memref<32x1024xf32, #tpu.memory_space<hbm>>
      %dma_wait3A_103 = arith.constant 0 : i32
      %dma_wait3A_104 = tpu.memref_slice %arg4[%add3A_32, %dma_wait3A_103] : memref<6144x1024xf32, #tpu.memory_space<hbm>> -> memref<32x1024xf32, #tpu.memory_space<hbm>>
      tpu.wait_dma2 semaphore(%run_scoped3A : memref<!tpu.dma_semaphore, #tpu.memory_space<semaphore_mem>>) src(%arg7 : memref<32x1024xf32, #tpu.memory_space<vmem>>) dst(%dma_wait3A_104 : memref<32x1024xf32, #tpu.memory_space<hbm>>)
      tpu.yield
    }) : () -> ()
    %dma_start3A_33 = arith.constant 2 : i32
    %dma_start3A_34 = arith.constant 0 : i32
    %dma_start3A_35 = tpu.memref_slice %arg5[%dma_start3A_33, %dma_start3A_34] : memref<6x32xi32, #tpu.memory_space<vmem>> -> memref<1x32xi32, #tpu.memory_space<vmem>>
    %dma_start3A_36 = tpu.memref_squeeze %dma_start3A_35 : memref<1x32xi32, #tpu.memory_space<vmem>> -> memref<32xi32, #tpu.memory_space<vmem>>
    %dma_start3A_37 = arith.constant 0 : i32
    %dma_start3A_38 = arith.constant 0 : i32
    %dma_start3A_39 = tpu.memref_slice %arg2[%dma_start3A_37, %dma_start3A_38] : memref<2048x1024xf32, #tpu.memory_space<hbm>> -> memref<2048x1024xf32, #tpu.memory_space<hbm>>
    tpu.enqueue_indirect_dma source(%dma_start3A_39 : memref<2048x1024xf32, #tpu.memory_space<hbm>>) target(%arg6 : memref<32x1024xf32, #tpu.memory_space<vmem>>) offsets(%dma_start3A_36 : memref<32xi32, #tpu.memory_space<vmem>>) semaphore(%arg8 : memref<!tpu.dma_semaphore, #tpu.memory_space<semaphore_mem>>)
    %dma_start3A_40 = arith.constant 3 : i32
    %dma_start3A_41 = arith.constant 0 : i32
    %dma_start3A_42 = tpu.memref_slice %arg5[%dma_start3A_40, %dma_start3A_41] : memref<6x32xi32, #tpu.memory_space<vmem>> -> memref<1x32xi32, #tpu.memory_space<vmem>>
    %dma_start3A_43 = tpu.memref_squeeze %dma_start3A_42 : memref<1x32xi32, #tpu.memory_space<vmem>> -> memref<32xi32, #tpu.memory_space<vmem>>
    %dma_start3A_44 = arith.constant 0 : i32
    %dma_start3A_45 = arith.constant 0 : i32
    %dma_start3A_46 = tpu.memref_slice %arg2[%dma_start3A_44, %dma_start3A_45] : memref<2048x1024xf32, #tpu.memory_space<hbm>> -> memref<2048x1024xf32, #tpu.memory_space<hbm>>
    tpu.enqueue_indirect_dma source(%dma_start3A_46 : memref<2048x1024xf32, #tpu.memory_space<hbm>>) target(%arg7 : memref<32x1024xf32, #tpu.memory_space<vmem>>) offsets(%dma_start3A_43 : memref<32xi32, #tpu.memory_space<vmem>>) semaphore(%arg9 : memref<!tpu.dma_semaphore, #tpu.memory_space<semaphore_mem>>)
    %dma_wait3A_47 = arith.constant 2 : i32
    %dma_wait3A_48 = arith.constant 0 : i32
    %dma_wait3A_49 = tpu.memref_slice %arg5[%dma_wait3A_47, %dma_wait3A_48] : memref<6x32xi32, #tpu.memory_space<vmem>> -> memref<1x32xi32, #tpu.memory_space<vmem>>
    %dma_wait3A_50 = tpu.memref_squeeze %dma_wait3A_49 : memref<1x32xi32, #tpu.memory_space<vmem>> -> memref<32xi32, #tpu.memory_space<vmem>>
    %dma_wait3A_51 = arith.constant 0 : i32
    %dma_wait3A_52 = arith.constant 0 : i32
    %dma_wait3A_53 = tpu.memref_slice %arg2[%dma_wait3A_51, %dma_wait3A_52] : memref<2048x1024xf32, #tpu.memory_space<hbm>> -> memref<2048x1024xf32, #tpu.memory_space<hbm>>
    tpu.wait_indirect_dma semaphore(%arg8 : memref<!tpu.dma_semaphore, #tpu.memory_space<semaphore_mem>>) src(%dma_wait3A_53 : memref<2048x1024xf32, #tpu.memory_space<hbm>>) dst(%arg6 : memref<32x1024xf32, #tpu.memory_space<vmem>>)
    %dma_wait3A_54 = arith.constant 3 : i32
    %dma_wait3A_55 = arith.constant 0 : i32
    %dma_wait3A_56 = tpu.memref_slice %arg5[%dma_wait3A_54, %dma_wait3A_55] : memref<6x32xi32, #tpu.memory_space<vmem>> -> memref<1x32xi32, #tpu.memory_space<vmem>>
    %dma_wait3A_57 = tpu.memref_squeeze %dma_wait3A_56 : memref<1x32xi32, #tpu.memory_space<vmem>> -> memref<32xi32, #tpu.memory_space<vmem>>
    %dma_wait3A_58 = arith.constant 0 : i32
    %dma_wait3A_59 = arith.constant 0 : i32
    %dma_wait3A_60 = tpu.memref_slice %arg2[%dma_wait3A_58, %dma_wait3A_59] : memref<2048x1024xf32, #tpu.memory_space<hbm>> -> memref<2048x1024xf32, #tpu.memory_space<hbm>>
    tpu.wait_indirect_dma semaphore(%arg9 : memref<!tpu.dma_semaphore, #tpu.memory_space<semaphore_mem>>) src(%dma_wait3A_60 : memref<2048x1024xf32, #tpu.memory_space<hbm>>) dst(%arg7 : memref<32x1024xf32, #tpu.memory_space<vmem>>)
    %add3A_61 = arith.constant 64 : i32
    %add3A_62 = arith.addi %mul3A_2, %add3A_61 : i32
    "tpu.region"() ({
      %run_scoped3A = tpu.sem_alloc : memref<!tpu.dma_semaphore, #tpu.memory_space<semaphore_mem>>
      %dma_start3A_97 = arith.constant 0 : i32
      %dma_start3A_98 = tpu.memref_slice %arg4[%add3A_62, %dma_start3A_97] : memref<6144x1024xf32, #tpu.memory_space<hbm>> -> memref<32x1024xf32, #tpu.memory_space<hbm>>
      %dma_start3A_99 = arith.constant 0 : i32
      %dma_start3A_100 = tpu.memref_slice %arg4[%add3A_62, %dma_start3A_99] : memref<6144x1024xf32, #tpu.memory_space<hbm>> -> memref<32x1024xf32, #tpu.memory_space<hbm>>
      tpu.enqueue_dma source(%arg6 : memref<32x1024xf32, #tpu.memory_space<vmem>>) target(%dma_start3A_100 : memref<32x1024xf32, #tpu.memory_space<hbm>>) target_semaphore(%run_scoped3A : memref<!tpu.dma_semaphore, #tpu.memory_space<semaphore_mem>>)
      %dma_wait3A_101 = arith.constant 0 : i32
      %dma_wait3A_102 = tpu.memref_slice %arg4[%add3A_62, %dma_wait3A_101] : memref<6144x1024xf32, #tpu.memory_space<hbm>> -> memref<32x1024xf32, #tpu.memory_space<hbm>>
      %dma_wait3A_103 = arith.constant 0 : i32
      %dma_wait3A_104 = tpu.memref_slice %arg4[%add3A_62, %dma_wait3A_103] : memref<6144x1024xf32, #tpu.memory_space<hbm>> -> memref<32x1024xf32, #tpu.memory_space<hbm>>
      tpu.wait_dma2 semaphore(%run_scoped3A : memref<!tpu.dma_semaphore, #tpu.memory_space<semaphore_mem>>) src(%arg6 : memref<32x1024xf32, #tpu.memory_space<vmem>>) dst(%dma_wait3A_104 : memref<32x1024xf32, #tpu.memory_space<hbm>>)
      tpu.yield
    }) : () -> ()
    %add3A_63 = arith.constant 96 : i32
    %add3A_64 = arith.addi %mul3A_2, %add3A_63 : i32
    "tpu.region"() ({
      %run_scoped3A = tpu.sem_alloc : memref<!tpu.dma_semaphore, #tpu.memory_space<semaphore_mem>>
      %dma_start3A_97 = arith.constant 0 : i32
      %dma_start3A_98 = tpu.memref_slice %arg4[%add3A_64, %dma_start3A_97] : memref<6144x1024xf32, #tpu.memory_space<hbm>> -> memref<32x1024xf32, #tpu.memory_space<hbm>>
      %dma_start3A_99 = arith.constant 0 : i32
      %dma_start3A_100 = tpu.memref_slice %arg4[%add3A_64, %dma_start3A_99] : memref<6144x1024xf32, #tpu.memory_space<hbm>> -> memref<32x1024xf32, #tpu.memory_space<hbm>>
      tpu.enqueue_dma source(%arg7 : memref<32x1024xf32, #tpu.memory_space<vmem>>) target(%dma_start3A_100 : memref<32x1024xf32, #tpu.memory_space<hbm>>) target_semaphore(%run_scoped3A : memref<!tpu.dma_semaphore, #tpu.memory_space<semaphore_mem>>)
      %dma_wait3A_101 = arith.constant 0 : i32
      %dma_wait3A_102 = tpu.memref_slice %arg4[%add3A_64, %dma_wait3A_101] : memref<6144x1024xf32, #tpu.memory_space<hbm>> -> memref<32x1024xf32, #tpu.memory_space<hbm>>
      %dma_wait3A_103 = arith.constant 0 : i32
      %dma_wait3A_104 = tpu.memref_slice %arg4[%add3A_64, %dma_wait3A_103] : memref<6144x1024xf32, #tpu.memory_space<hbm>> -> memref<32x1024xf32, #tpu.memory_space<hbm>>
      tpu.wait_dma2 semaphore(%run_scoped3A : memref<!tpu.dma_semaphore, #tpu.memory_space<semaphore_mem>>) src(%arg7 : memref<32x1024xf32, #tpu.memory_space<vmem>>) dst(%dma_wait3A_104 : memref<32x1024xf32, #tpu.memory_space<hbm>>)
      tpu.yield
    }) : () -> ()
    %dma_start3A_65 = arith.constant 4 : i32
    %dma_start3A_66 = arith.constant 0 : i32
    %dma_start3A_67 = tpu.memref_slice %arg5[%dma_start3A_65, %dma_start3A_66] : memref<6x32xi32, #tpu.memory_space<vmem>> -> memref<1x32xi32, #tpu.memory_space<vmem>>
    %dma_start3A_68 = tpu.memref_squeeze %dma_start3A_67 : memref<1x32xi32, #tpu.memory_space<vmem>> -> memref<32xi32, #tpu.memory_space<vmem>>
    %dma_start3A_69 = arith.constant 0 : i32
    %dma_start3A_70 = arith.constant 0 : i32
    %dma_start3A_71 = tpu.memref_slice %arg2[%dma_start3A_69, %dma_start3A_70] : memref<2048x1024xf32, #tpu.memory_space<hbm>> -> memref<2048x1024xf32, #tpu.memory_space<hbm>>
    tpu.enqueue_indirect_dma source(%dma_start3A_71 : memref<2048x1024xf32, #tpu.memory_space<hbm>>) target(%arg6 : memref<32x1024xf32, #tpu.memory_space<vmem>>) offsets(%dma_start3A_68 : memref<32xi32, #tpu.memory_space<vmem>>) semaphore(%arg8 : memref<!tpu.dma_semaphore, #tpu.memory_space<semaphore_mem>>)
    %dma_start3A_72 = arith.constant 5 : i32
    %dma_start3A_73 = arith.constant 0 : i32
    %dma_start3A_74 = tpu.memref_slice %arg5[%dma_start3A_72, %dma_start3A_73] : memref<6x32xi32, #tpu.memory_space<vmem>> -> memref<1x32xi32, #tpu.memory_space<vmem>>
    %dma_start3A_75 = tpu.memref_squeeze %dma_start3A_74 : memref<1x32xi32, #tpu.memory_space<vmem>> -> memref<32xi32, #tpu.memory_space<vmem>>
    %dma_start3A_76 = arith.constant 0 : i32
    %dma_start3A_77 = arith.constant 0 : i32
    %dma_start3A_78 = tpu.memref_slice %arg2[%dma_start3A_76, %dma_start3A_77] : memref<2048x1024xf32, #tpu.memory_space<hbm>> -> memref<2048x1024xf32, #tpu.memory_space<hbm>>
    tpu.enqueue_indirect_dma source(%dma_start3A_78 : memref<2048x1024xf32, #tpu.memory_space<hbm>>) target(%arg7 : memref<32x1024xf32, #tpu.memory_space<vmem>>) offsets(%dma_start3A_75 : memref<32xi32, #tpu.memory_space<vmem>>) semaphore(%arg9 : memref<!tpu.dma_semaphore, #tpu.memory_space<semaphore_mem>>)
    %dma_wait3A_79 = arith.constant 4 : i32
    %dma_wait3A_80 = arith.constant 0 : i32
    %dma_wait3A_81 = tpu.memref_slice %arg5[%dma_wait3A_79, %dma_wait3A_80] : memref<6x32xi32, #tpu.memory_space<vmem>> -> memref<1x32xi32, #tpu.memory_space<vmem>>
    %dma_wait3A_82 = tpu.memref_squeeze %dma_wait3A_81 : memref<1x32xi32, #tpu.memory_space<vmem>> -> memref<32xi32, #tpu.memory_space<vmem>>
    %dma_wait3A_83 = arith.constant 0 : i32
    %dma_wait3A_84 = arith.constant 0 : i32
    %dma_wait3A_85 = tpu.memref_slice %arg2[%dma_wait3A_83, %dma_wait3A_84] : memref<2048x1024xf32, #tpu.memory_space<hbm>> -> memref<2048x1024xf32, #tpu.memory_space<hbm>>
    tpu.wait_indirect_dma semaphore(%arg8 : memref<!tpu.dma_semaphore, #tpu.memory_space<semaphore_mem>>) src(%dma_wait3A_85 : memref<2048x1024xf32, #tpu.memory_space<hbm>>) dst(%arg6 : memref<32x1024xf32, #tpu.memory_space<vmem>>)
    %dma_wait3A_86 = arith.constant 5 : i32
    %dma_wait3A_87 = arith.constant 0 : i32
    %dma_wait3A_88 = tpu.memref_slice %arg5[%dma_wait3A_86, %dma_wait3A_87] : memref<6x32xi32, #tpu.memory_space<vmem>> -> memref<1x32xi32, #tpu.memory_space<vmem>>
    %dma_wait3A_89 = tpu.memref_squeeze %dma_wait3A_88 : memref<1x32xi32, #tpu.memory_space<vmem>> -> memref<32xi32, #tpu.memory_space<vmem>>
    %dma_wait3A_90 = arith.constant 0 : i32
    %dma_wait3A_91 = arith.constant 0 : i32
    %dma_wait3A_92 = tpu.memref_slice %arg2[%dma_wait3A_90, %dma_wait3A_91] : memref<2048x1024xf32, #tpu.memory_space<hbm>> -> memref<2048x1024xf32, #tpu.memory_space<hbm>>
    tpu.wait_indirect_dma semaphore(%arg9 : memref<!tpu.dma_semaphore, #tpu.memory_space<semaphore_mem>>) src(%dma_wait3A_92 : memref<2048x1024xf32, #tpu.memory_space<hbm>>) dst(%arg7 : memref<32x1024xf32, #tpu.memory_space<vmem>>)
    %add3A_93 = arith.constant 128 : i32
    %add3A_94 = arith.addi %mul3A_2, %add3A_93 : i32
    "tpu.region"() ({
      %run_scoped3A = tpu.sem_alloc : memref<!tpu.dma_semaphore, #tpu.memory_space<semaphore_mem>>
      %dma_start3A_97 = arith.constant 0 : i32
      %dma_start3A_98 = tpu.memref_slice %arg4[%add3A_94, %dma_start3A_97] : memref<6144x1024xf32, #tpu.memory_space<hbm>> -> memref<32x1024xf32, #tpu.memory_space<hbm>>
      %dma_start3A_99 = arith.constant 0 : i32
      %dma_start3A_100 = tpu.memref_slice %arg4[%add3A_94, %dma_start3A_99] : memref<6144x1024xf32, #tpu.memory_space<hbm>> -> memref<32x1024xf32, #tpu.memory_space<hbm>>
      tpu.enqueue_dma source(%arg6 : memref<32x1024xf32, #tpu.memory_space<vmem>>) target(%dma_start3A_100 : memref<32x1024xf32, #tpu.memory_space<hbm>>) target_semaphore(%run_scoped3A : memref<!tpu.dma_semaphore, #tpu.memory_space<semaphore_mem>>)
      %dma_wait3A_101 = arith.constant 0 : i32
      %dma_wait3A_102 = tpu.memref_slice %arg4[%add3A_94, %dma_wait3A_101] : memref<6144x1024xf32, #tpu.memory_space<hbm>> -> memref<32x1024xf32, #tpu.memory_space<hbm>>
      %dma_wait3A_103 = arith.constant 0 : i32
      %dma_wait3A_104 = tpu.memref_slice %arg4[%add3A_94, %dma_wait3A_103] : memref<6144x1024xf32, #tpu.memory_space<hbm>> -> memref<32x1024xf32, #tpu.memory_space<hbm>>
      tpu.wait_dma2 semaphore(%run_scoped3A : memref<!tpu.dma_semaphore, #tpu.memory_space<semaphore_mem>>) src(%arg6 : memref<32x1024xf32, #tpu.memory_space<vmem>>) dst(%dma_wait3A_104 : memref<32x1024xf32, #tpu.memory_space<hbm>>)
      tpu.yield
    }) : () -> ()
    %add3A_95 = arith.constant 160 : i32
    %add3A_96 = arith.addi %mul3A_2, %add3A_95 : i32
    "tpu.region"() ({
      %run_scoped3A = tpu.sem_alloc : memref<!tpu.dma_semaphore, #tpu.memory_space<semaphore_mem>>
      %dma_start3A_97 = arith.constant 0 : i32
      %dma_start3A_98 = tpu.memref_slice %arg4[%add3A_96, %dma_start3A_97] : memref<6144x1024xf32, #tpu.memory_space<hbm>> -> memref<32x1024xf32, #tpu.memory_space<hbm>>
      %dma_start3A_99 = arith.constant 0 : i32
      %dma_start3A_100 = tpu.memref_slice %arg4[%add3A_96, %dma_start3A_99] : memref<6144x1024xf32, #tpu.memory_space<hbm>> -> memref<32x1024xf32, #tpu.memory_space<hbm>>
      tpu.enqueue_dma source(%arg7 : memref<32x1024xf32, #tpu.memory_space<vmem>>) target(%dma_start3A_100 : memref<32x1024xf32, #tpu.memory_space<hbm>>) target_semaphore(%run_scoped3A : memref<!tpu.dma_semaphore, #tpu.memory_space<semaphore_mem>>)
      %dma_wait3A_101 = arith.constant 0 : i32
      %dma_wait3A_102 = tpu.memref_slice %arg4[%add3A_96, %dma_wait3A_101] : memref<6144x1024xf32, #tpu.memory_space<hbm>> -> memref<32x1024xf32, #tpu.memory_space<hbm>>
      %dma_wait3A_103 = arith.constant 0 : i32
      %dma_wait3A_104 = tpu.memref_slice %arg4[%add3A_96, %dma_wait3A_103] : memref<6144x1024xf32, #tpu.memory_space<hbm>> -> memref<32x1024xf32, #tpu.memory_space<hbm>>
      tpu.wait_dma2 semaphore(%run_scoped3A : memref<!tpu.dma_semaphore, #tpu.memory_space<semaphore_mem>>) src(%arg7 : memref<32x1024xf32, #tpu.memory_space<vmem>>) dst(%dma_wait3A_104 : memref<32x1024xf32, #tpu.memory_space<hbm>>)
      tpu.yield
    }) : () -> ()
    return
  }
}

</mosaic_0001>

<sc_bundles>
// kernel: sc_dispatch_gather.3.cloned.1.call-start
scs
__scs_entry_jumppad:
0x0: {  	(pc) =	sbr.rel $0x88, $3  }
0x1: {  	(tag) =	ssettag $0x0;
	lr =	simm.s32 $0x1  }
0x2: {  	[smem:$0x3F9B] =	sst lr;
	_ =	strace $0xD0000000  }
0x3: {  	_ = 	snop  }
0x4: {  	_ = 	snop  }
0x5: {  	_ = 	snop  }
0x6: {  	_ = 	snop  }
0x7: {  	_ = 	snop  }
__scs_overlays_trampoline_lowered:
0x8: {  	[smem:$0x3FAA] =	sst s0  }
0x9: {  	[smem:$0x3FAB] =	sst s1  }
0xa: {  	[smem:$0x3FAC] =	sst s2  }
0xb: {  	[smem:$0x3FAD] =	sst s3  }
0xc: {  	[smem:$0x3FAE] =	sst s4  }
0xd: {  	[smem:$0x3FAF] =	sst s5  }
0xe: {  	[smem:$0x3FB0] =	sst s6  }
0xf: {  	[smem:$0x3FB1] =	sst s7  }
0x10: {  	[smem:$0x3FB2] =	sst s8  }
0x11: {  	[smem:$0x3FB3] =	sst s9;
	s0 =	simm.s32 @!p0 $0x0  }
0x12: {  	s1 =	sld [smem:$0x3F99];
	s0 =	simm.s32 @p0 $0x1  }
0x13: {  	[smem:$0x3FB4] =	sst s0;
	s0 =	simm.s32 @!p1 $0x0  }
0x14: {  	s2 =	sld [smem:$0x3F98];
	s0 =	simm.s32 @p1 $0x1  }
0x15: {  	[smem:$0x3FB5] =	sst s0;
	s0 =	simm.s32 @!p2 $0x0  }
0x16: {  	s3 =	sld [smem:$0x3FDB];
	s0 =	simm.s32 @p2 $0x1  }
0x17: {  	s4 =	simm.s32 $0x1BF5;
	[smem:$0x3FB7] =	sst s0  }
0x18: {  	s0 =	sld [smem:$0x3F9A];
	_ =	swait.ge [sflag:s4], $0x0  }
0x19: {  	s7 =	sld [smem:$0x3F9B]  }
0x1a: {  	s8 =	sadd.s32 $0xFFFFE003, lr  }
0x1b: {  	s9 =	sadd.s32 $0xFFFFFEF7, lr;
	s5 =	simm.s32 $0xFFFFFFFF;
	p2 =	slt.u32 s8, $0xFFFFF086  }
0x1c: {  	p1 =	slt.u32 s9, $0xF7A;
	s5 =	simm.s32 @!p2 $0x0  }
0x1d: {  	s5 =	simm.s32 @p1 $0x1;
	p0 =	seq.s32 s7, s2  }
0x1e: {  	s7 =	smul.u32 @!p0 $0xF7A, s2;
	p2 =	seq.s32 @!p0 s5, $0x0  }
0x1f: {  	s9 =	smul.u32 $0xF7A, s1;
	s8 =	simm.s32 @!p0 $0x1BF5;
	p2 =	por !p2, p0  }
0x20: {  	[sflag:s8] =	ssyncset.s32 @!p0 $0xFFFFF086;
	s6 =	sadd.s32 @!p0 s3, s7;
	s7 =	simm.s32 @!p0 $0x108  }
0x21: {  	s3 =	sadd.s32 s3, s9;
	s6 =	sadd.s32 @!p0 $0x88, s6;
	s7 =	simm.s32 @p2 $0x1082  }
0x22: {  	[simem:s7], [sflag:s8] =	dma.local @!p0 [hbm:s6], $0xF7A  }
0x23: {  	s9 =	sor.u32 $0xD0000000, s2;
	s6 =	simm.s32 $0x108;
	_ =	swait.ge @!p0 [sflag:s8], $0x0  }
0x24: {  	s3 =	sadd.s32 $0x88, s3;
	s6 =	simm.s32 @!p1 $0x1082;
	[sflag:s4] =	ssyncset.s32 $0xFFFFF086  }
0x25: {  	[simem:s6], [sflag:s4] =	dma.local [hbm:s3], $0xF7A  }
0x26: {  	[smem:$0x3F9B] =	sst s1;
	(tag) =	ssettag s2;
	_ =	strace s9  }
0x27: {  	s1 =	sld [smem:$0x3FAB]  }
0x28: {  	s2 =	sld [smem:$0x3FAC]  }
0x29: {  	s4 =	sld [smem:$0x3FAE]  }
0x2a: {  	p0 =	seq.s32 s5, $0x0;
	s5 =	sld [smem:$0x3FAF]  }
0x2b: {  	s6 =	sld [smem:$0x3FB0]  }
0x2c: {  	s7 =	sld [smem:$0x3FB1]  }
0x2d: {  	s3 =	simm.s32 $0x108;
	s8 =	sld [smem:$0x3FB2]  }
0x2e: {  	s3 =	simm.s32 @!p0 $0x1082;
	s9 =	sld [smem:$0x3FB3]  }
0x2f: {  	lr =	sadd.s32 s0, s3;
	s0 =	sld [smem:$0x3FAA]  }
0x30: {  	s3 =	sld [smem:$0x3FAD]  }
0x31: {  	[smem:$0x3FB6] =	sst s10  }
0x32: {  	s10 =	sld [smem:$0x3FB4];
	_ =	sdelay $0x3  }
0x33: {  	p0 =	seq.s32 s10, $0x1;
	s10 =	sld [smem:$0x3FB6];
	_ =	sdelay $0x3  }
0x34: {  	[smem:$0x3FB6] =	sst s10  }
0x35: {  	s10 =	sld [smem:$0x3FB5];
	_ =	sdelay $0x3  }
0x36: {  	p1 =	seq.s32 s10, $0x1;
	s10 =	sld [smem:$0x3FB6];
	_ =	sdelay $0x3  }
0x37: {  	[smem:$0x3FB6] =	sst s10  }
0x38: {  	s10 =	sld [smem:$0x3FB7]  }
0x39: {  	_ = 	snop;
	(pc) =	sbr.ind lr, $3  }
0x3a: {  	_ = 	snop  }
0x3b: {  	_ = 	snop  }
0x3c: {  	p2 =	seq.s32 s10, $0x1;
	s10 =	sld [smem:$0x3FB6]  }
0x3d: {  	_ =	shalt  }
0x3e: {  	_ =	shalt  }
0x3f: {  	_ =	shalt  }
0x40: {  	_ =	shalt  }
0x41: {  	_ =	shalt  }
0x42: {  	_ =	shalt  }
0x43: {  	_ =	shalt  }
0x44: {  	_ =	shalt  }
0x45: {  	_ =	shalt  }
0x46: {  	_ =	shalt  }
0x47: {  	_ =	shalt  }
0x48: {  	_ =	shalt  }
0x49: {  	_ =	shalt  }
0x4a: {  	_ =	shalt  }
0x4b: {  	_ =	shalt  }
0x4c: {  	_ =	shalt  }
0x4d: {  	_ =	shalt  }
0x4e: {  	_ =	shalt  }
0x4f: {  	_ =	shalt  }
0x50: {  	_ =	shalt  }
0x51: {  	_ =	shalt  }
0x52: {  	_ =	shalt  }
0x53: {  	_ =	shalt  }
0x54: {  	_ =	shalt  }
0x55: {  	_ =	shalt  }
0x56: {  	_ =	shalt  }
0x57: {  	_ =	shalt  }
0x58: {  	_ =	shalt  }
0x59: {  	_ =	shalt  }
0x5a: {  	_ =	shalt  }
0x5b: {  	_ =	shalt  }
0x5c: {  	_ =	shalt  }
0x5d: {  	_ =	shalt  }
0x5e: {  	_ =	shalt  }
0x5f: {  	_ =	shalt  }
0x60: {  	_ =	shalt  }
0x61: {  	_ =	shalt  }
0x62: {  	_ =	shalt  }
0x63: {  	_ =	shalt  }
0x64: {  	_ =	shalt  }
0x65: {  	_ =	shalt  }
0x66: {  	_ =	shalt  }
0x67: {  	_ =	shalt  }
0x68: {  	_ =	shalt  }
0x69: {  	_ =	shalt  }
0x6a: {  	_ =	shalt  }
0x6b: {  	_ =	shalt  }
0x6c: {  	_ =	shalt  }
0x6d: {  	_ =	shalt  }
0x6e: {  	_ =	shalt  }
0x6f: {  	_ =	shalt  }
0x70: {  	_ =	shalt  }
0x71: {  	_ =	shalt  }
0x72: {  	_ =	shalt  }
0x73: {  	_ =	shalt  }
0x74: {  	_ =	shalt  }
0x75: {  	_ =	shalt  }
0x76: {  	_ =	shalt  }
0x77: {  	_ =	shalt  }
0x78: {  	_ =	shalt  }
0x79: {  	_ =	shalt  }
0x7a: {  	_ =	shalt  }
0x7b: {  	_ =	shalt  }
0x7c: {  	_ =	shalt  }
0x7d: {  	_ =	shalt  }
0x7e: {  	_ =	shalt  }
0x7f: {  	_ =	shalt  }
0x80: {  	_ =	shalt  }
0x81: {  	_ =	shalt  }
0x82: {  	_ =	shalt  }
0x83: {  	_ =	shalt  }
0x84: {  	_ =	shalt  }
0x85: {  	_ =	shalt  }
0x86: {  	_ =	shalt  }
0x87: {  	_ =	shalt  }
.Lfunc_end0:
.L_simem_size_0:
called_computation_lowered:
.L_overlay_start_0:
0x88: {  	s2 =	sld [smem:$0x3FD9]  }
0x89: {  	s3 =	sld [smem:$0x3FFE];
	_ =	sdelay $0x1  }
0x8a: {  	s1 =	srdreg.scid  }
0x8b: {  	s0 =	sand.u32 $0x1, s1  }
0x8c: {  	s17 =	sshll.u32 s0, $0xA;
	s2 =	sadd.s32 s3, s2  }
0x8d: {  	s2 =	sadd.s32 s2, s17  }
0x8e: {  	[smem:$0x3FC2] =	sst s2  }
0x8f: {  	_ = 	snop  }
0x90: {  	s2 =	sld [smem:$0x3FC9]  }
0x91: {  	s18 =	sld [smem:$0x3FD0];
	(tm) =	ssettm $0x1  }
0x92: {  	s4 =	sld [smem:$0x3FFB];
	_ =	sdelay $0x3  }
0x93: {  	_ =	strace s4  }
0x94: {  	s4 =	sld [smem:$0x3FFC];
	_ =	sdelay $0x3  }
0x95: {  	_ =	strace s4  }
0x96: {  	s4 =	sld [smem:$0x3FFD];
	_ =	sdelay $0x3  }
0x97: {  	_ =	strace s4  }
0x98: {  	_ =	strace $0x8FFFFFFF  }
0x99: {  	s19 =	sld [smem:$0x3FDB];
	_ =	sdelay $0x1  }
0x9a: {  	s5 =	simm.s32 $_scs_section_size  }
0x9b: {  	s6 =	simm.s32 $_size__tile_overlayer_lowered;
	s7 =	simm.s32 $_tile_overlayer_lowered  }
0x9c: {  	s22 =	simm.s32 $0x1BFF;
	s21 =	sshll.u32 s7, $0x1;
	s4 =	sadd.s32 s5, s19  }
0x9d: {  	s8 =	simm.s32 $0x0;
	s20 =	sshll.u32 s6, $0x1;
	s6 =	sadd.s32 s21, s4  }
0x9e: {  	[timem:s8], [sflag:s22] =	dma.local [hbm:s6], s20  }
0x9f: {  	_ =	swait.ge [sflag:s22], s20  }
0xa0: {  	s5 =	ssub.s32 $0x0, s20;
	[sflag:s22] =	ssyncset.done $0x0  }
0xa1: {  	[sflag:s22] =	ssyncadd.s32 s5;
	_ =	sdelay $0x1  }
0xa2: {  	s23 =	simm.s32 $0x1B8B  }
0xa3: {  	_ =	swait.ge [sflag:s23], $0x1  }
0xa4: {  	[sflag:s23] =	ssyncset.done $0x0  }
0xa5: {  	s25 =	simm.s32 $0x1B8E;
	s24 =	sld [smem:$0x3FFE];
	[sflag:s23] =	ssyncadd.s32 $0xFFFFFFFF  }
0xa6: {  	s26 =	simm.s32 $execute0_lowered;
	[smem:$0x3FD2] =	sst s25  }
0xa7: {  	s6 =	sshll.u32 s26, $0x1;
	_ =	strace $0x80000046;
	[dreg:$0x1] =	wrdreg $0xFFFFFFFF  }
0xa8: {  	s28 =	simm.s32 $_size_execute0_lowered;
	s4 =	sadd.s32 s4, s6;
	[dreg:$0x0] =	wrdreg $0x0  }
0xa9: {  	s6 =	sshll.u32 s28, $0x1;
	[dreg:$0x2] =	wrdreg s4  }
0xaa: {  	[dreg:$0x3] =	wrdreg s6  }
0xab: {  	[dreg:$0x4] =	wrdreg $0xC0  }
0xac: {  	_ =	task [dreg:s8], $0x5FFFF  }
0xad: {  	[dreg:$0x1] =	wrdreg $0xFFFFFFFF  }
0xae: {  	[dreg:$0x0] =	wrdreg $0x60  }
0xaf: {  	[dreg:$0x2] =	wrdreg s2  }
0xb0: {  	[dreg:$0x3] =	wrdreg s18  }
0xb1: {  	[dreg:$0x4] =	wrdreg s24  }
0xb2: {  	[dreg:$0x5] =	wrdreg $0x9  }
0xb3: {  	_ =	task.clear_ibuf [dreg:s8], $0x6FFFF;
	_ =	strace $0x90000046  }
0xb4: {  	s29 =	simm.s32 $0x9;
	_ =	strace $0x80000048  }
0xb5: {  	_ =	swait.ge [sflag:s29], $0x1  }
0xb6: {  	[sflag:s29] =	ssyncadd.s32 $0xFFFFFFFF  }
0xb7: {  	_ =	strace $0x90000048  }
0xb8: {  	_ =	sfence  }
0xb9: {  	s30 =	sld [smem:$0x0];
	_ =	sdelay $0x2  }
0xba: {  	s31 =	sshll.u32 s1, $0xD;
	s1 =	sshrl.u32 s1, $0x2  }
0xbb: {  	s3 =	sand.u32 $0x4000, s31;
	s1 =	sadd.s32 s1, s30  }
0xbc: {  	s0 =	sor.u32 s3, s0;
	s1 =	sshll.u32 s1, $0x11  }
0xbd: {  	s0 =	sor.u32 s1, s0  }
0xbe: {  	s0 =	sadd.s32 $0x8F2B, s0  }
0xbf: {  	[sflag:s0] =	ssyncadd.remote.s32 $0x1  }
0xc0: {  	_ =	sfence.sel $0xFFFF  }
0xc1: {  	[dreg:$0x0] =	wrdreg $0xFFFFFFFF;
	(pc) =	sbr.abs _section_cstart, $3  }
0xc2: {  	[dreg:$0x1] =	wrdreg $0xFFFFFFFF  }
0xc3: {  	_ =	task.clear_ibuf [dreg:s8], $0x2FFFF;
	_ =	strace $0x9FFFFFFF  }
0xc4: {  	(tm) =	ssettm $0x7FFFFFFF  }
0xc5: {  	_ =	shalt  }
tec
execute0_lowered:
.L_overlay_start_1:
0x0: {  	(tag) =	ssettag $0x1  }
0x1: {  	s1 =	rddreg [dreg:$0x0]  }
0x2: {  	s0 =	srdreg.scid;
	s2 =	rddreg [dreg:$0x1]  }
0x3: {  	s3 =	stileid.u32;
	s4 =	rddreg [dreg:$0x2];
	s9 =	simm.s32 $0x3  }
0x4: {  	s19 =	simm.s32 $0x1;
	s28 =	simm.s32 $0x2C00;
	s29 =	simm.s32 $0x3400  }
0x5: {  	s30 =	simm.s32 $0x3C00;
	s31 =	simm.s32 $0x4400;
	s11 =	simm.s32 $0x6400  }
0x6: {  	s12 =	simm.s32 $0x6C00;
	s13 =	simm.s32 $0x7400;
	s14 =	simm.s32 $0x7C00  }
0x7: {  	s15 =	simm.s32 $0x8C00;
	s16 =	simm.s32 $0x9400;
	s17 =	simm.s32 $0x9C00  }
0x8: {  	s18 =	simm.s32 $0xA400;
	s0 =	sand.u32 $0x1, s0;
	s3 =	sshll.u32 s3, $0x1  }
0x9: {  	s10 =	simm.s32 $0xAC00;
	s4 =	sadd.s32 $0x400, s4;
	s5 =	sor.u32 s0, s3  }
0xa: {  	s3 =	simm.s32 $0x0;
	s0 =	ssub.s32 $0x2, s0;
	s6 =	smul.u32 $0x6000, s5  }
0xb: {  	[smem:$0x7FF] =	sst s3;
	s7 =	smul.u32 $0x30000, s5;
	s5 =	sshll.u32 s5, $0x7  }
0xc: {  	s23 =	sshrl.u32 s0, $0x1;
	_ =	strace $0x80000047;
	s2 =	sadd.s32 s2, s5  }
0xd: {  	s0 =	ssub.s32 s0, s23;
	s5 =	sadd.s32 $0x100, s1;
	s23 =	simm.s32 $0x1400  }
0xe: {  	s6 =	sadd.s32 s4, s6;
	s20 =	sshrl.u32 s7, $0x3;
	[dreg:$0x4] =	wrdreg s2  }
0xf: {  	[dreg:$0xa] =	wrdreg s6;
	s21 =	sadd.s32 $0x1000, s6;
	s4 =	sadd.s32 s4, s20  }
0x10: {  	s7 =	sadd.s32 $0x300, s1;
	[dreg:$0x5] =	wrdreg s21;
	s22 =	sadd.s32 $0x2000, s4  }
0x11: {  	s8 =	smax.u32 s0, $0x1;
	s24 =	sadd.s32 $0x3000, s4;
	[dreg:$0x6] =	wrdreg s22  }
0x12: {  	s6 =	sadd.s32 $0x200, s1;
	s25 =	sadd.s32 $0x4000, s4;
	[dreg:$0x7] =	wrdreg s24  }
0x13: {  	v2 =	vlaneseq.u32;
	s20 =	simm.s32 $0x2;
	s26 =	sadd.s32 $0x5000, s4;
	[dreg:$0x8] =	wrdreg s25  }
0x14: {  	vm0 =	vmmov $0xffff;
	v1 =	vshrl.u32 v2, $0x3;
	s4 =	simm.s32 $0x5C00;
	[dreg:$0x9] =	wrdreg s26;
	s26 =	simm.s32 $0x400  }
0x15: {  	v0 =	vand.u32 $0x7, v2;
	v2 =	vor.u32 $0x8, v2;
	v1 =	vmul.u32 $0x8, v1;
	s22 =	simm.s32 $0xC00;
	s24 =	simm.s32 $0x1C00;
	s25 =	simm.s32 $0x2400  }
.LBB2_1:
0x16: {  	s21 =	rddreg [dreg:$0x4]  }
0x17: {  	[tilespmem:s3], [sflag:$0x3] =	stream.linear.gather [hbm4b:s21+s3], $0x300, $0x38;
	[tilespmem:$0x10400] =	vst v63  }
0x18: {  	_ =	swait.ge [sflag:s9], $0x300  }
0x19: {  	[sflag:s9] =	ssyncset.done $0x0  }
0x1a: {  	[sflag:s9] =	ssyncadd.s32 $0xFFFFFD00  }
0x1b: {  	v3 =	vld [tilespmem:$0x0];
	_ =	sdelay $0x4  }
0x1c: {  	v4 =	vshll.u32 v3, $0x3  }
0x1d: {  	v3 =	vand.u32 $0x7, v3;
	v4 =	vand.u32 $0xFFFFFFC0, v4  }
0x1e: {  	v3 =	vor.u32 v3, v4  }
0x1f: {  	v4 =	vperm.xlane v3, v0;
	_ =	sdelay $0x1  }
0x20: {  	v4 =	vadd.s32 v1, v4;
	_ =	sdelay $0x4  }
0x21: {  	[tilespmem:s26], [sflag:$0x1] =	stream.indirect_vreg.gather [hbm4b:s1+s3], $0x80, v4, vm0, $0xb8;
	[tilespmem:$0x10400] =	vst v63  }
0x22: {  	v3 =	vperm.xlane v3, v2  }
0x23: {  	[tilespmem:s22], [sflag:$0x1] =	stream.indirect_vreg.gather [hbm4b:s5+s3], $0x80, v4, vm0, $0xb8;
	[tilespmem:$0x10400] =	vst v63  }
0x24: {  	v3 =	vadd.s32 v1, v3  }
0x25: {  	[tilespmem:s23], [sflag:$0x1] =	stream.indirect_vreg.gather [hbm4b:s6+s3], $0x80, v4, vm0, $0xb8;
	[tilespmem:$0x10400] =	vst v63  }
0x26: {  	_ = 	snop  }
0x27: {  	[tilespmem:s24], [sflag:$0x1] =	stream.indirect_vreg.gather [hbm4b:s7+s3], $0x80, v4, vm0, $0xb8;
	[tilespmem:$0x10400] =	vst v63  }
0x28: {  	_ = 	snop  }
0x29: {  	[tilespmem:s25], [sflag:$0x1] =	stream.indirect_vreg.gather [hbm4b:s1+s3], $0x80, v3, vm0, $0xb8;
	[tilespmem:$0x10400] =	vst v63  }
0x2a: {  	_ = 	snop  }
0x2b: {  	[tilespmem:s28], [sflag:$0x1] =	stream.indirect_vreg.gather [hbm4b:s5+s3], $0x80, v3, vm0, $0xb8;
	[tilespmem:$0x10400] =	vst v63  }
0x2c: {  	_ = 	snop  }
0x2d: {  	[tilespmem:s29], [sflag:$0x1] =	stream.indirect_vreg.gather [hbm4b:s6+s3], $0x80, v3, vm0, $0xb8;
	[tilespmem:$0x10400] =	vst v63  }
0x2e: {  	_ = 	snop  }
0x2f: {  	[tilespmem:s30], [sflag:$0x1] =	stream.indirect_vreg.gather [hbm4b:s7+s3], $0x80, v3, vm0, $0xb8;
	[tilespmem:$0x10400] =	vst v63  }
0x30: {  	v3 =	vld [tilespmem:$0x10];
	_ =	sdelay $0x4  }
0x31: {  	v53 =	vshll.u32 v3, $0x3  }
0x32: {  	v3 =	vand.u32 $0x7, v3;
	v4 =	vand.u32 $0xFFFFFFC0, v53  }
0x33: {  	v3 =	vor.u32 v3, v4  }
0x34: {  	v4 =	vperm.xlane v3, v0;
	_ =	sdelay $0x1  }
0x35: {  	v4 =	vadd.s32 v1, v4;
	_ =	sdelay $0x4  }
0x36: {  	[tilespmem:s31], [sflag:$0x1] =	stream.indirect_vreg.gather [hbm4b:s1+s3], $0x80, v4, vm0, $0xb8;
	[tilespmem:$0x10400] =	vst v63  }
0x37: {  	s2 =	simm.s32 $0x4C00;
	v3 =	vperm.xlane v3, v2  }
0x38: {  	[tilespmem:s2], [sflag:$0x1] =	stream.indirect_vreg.gather [hbm4b:s5+s3], $0x80, v4, vm0, $0xb8;
	[tilespmem:$0x10400] =	vst v63  }
0x39: {  	s0 =	simm.s32 $0x5400;
	v3 =	vadd.s32 v1, v3  }
0x3a: {  	[tilespmem:s0], [sflag:$0x1] =	stream.indirect_vreg.gather [hbm4b:s6+s3], $0x80, v4, vm0, $0xb8;
	[tilespmem:$0x10400] =	vst v63  }
0x3b: {  	_ = 	snop  }
0x3c: {  	[tilespmem:s4], [sflag:$0x1] =	stream.indirect_vreg.gather [hbm4b:s7+s3], $0x80, v4, vm0, $0xb8;
	[tilespmem:$0x10400] =	vst v63  }
0x3d: {  	_ = 	snop  }
0x3e: {  	[tilespmem:s11], [sflag:$0x1] =	stream.indirect_vreg.gather [hbm4b:s1+s3], $0x80, v3, vm0, $0xb8;
	[tilespmem:$0x10400] =	vst v63  }
0x3f: {  	_ = 	snop  }
0x40: {  	[tilespmem:s12], [sflag:$0x1] =	stream.indirect_vreg.gather [hbm4b:s5+s3], $0x80, v3, vm0, $0xb8;
	[tilespmem:$0x10400] =	vst v63  }
0x41: {  	_ = 	snop  }
0x42: {  	[tilespmem:s13], [sflag:$0x1] =	stream.indirect_vreg.gather [hbm4b:s6+s3], $0x80, v3, vm0, $0xb8;
	[tilespmem:$0x10400] =	vst v63  }
0x43: {  	_ = 	snop  }
0x44: {  	[tilespmem:s14], [sflag:$0x1] =	stream.indirect_vreg.gather [hbm4b:s7+s3], $0x80, v3, vm0, $0xb8;
	[tilespmem:$0x10400] =	vst v63  }
0x45: {  	v3 =	vld [tilespmem:$0x80];
	_ =	sdelay $0x4  }
0x46: {  	v54 =	vshll.u32 v3, $0x3  }
0x47: {  	v3 =	vand.u32 $0x7, v3;
	v4 =	vand.u32 $0xFFFFFFC0, v54  }
0x48: {  	v3 =	vor.u32 v3, v4  }
0x49: {  	v4 =	vperm.xlane v3, v0;
	_ =	sdelay $0x1  }
0x4a: {  	v4 =	vadd.s32 v1, v4;
	_ =	sdelay $0x3  }
0x4b: {  	s0 =	simm.s32 $0x8400  }
0x4c: {  	[tilespmem:s0], [sflag:$0x2] =	stream.indirect_vreg.gather [hbm4b:s1+s3], $0x80, v4, vm0, $0xb8;
	[tilespmem:$0x10400] =	vst v63  }
0x4d: {  	v3 =	vperm.xlane v3, v2  }
0x4e: {  	[tilespmem:s15], [sflag:$0x2] =	stream.indirect_vreg.gather [hbm4b:s5+s3], $0x80, v4, vm0, $0xb8;
	[tilespmem:$0x10400] =	vst v63  }
0x4f: {  	v3 =	vadd.s32 v1, v3  }
0x50: {  	[tilespmem:s16], [sflag:$0x2] =	stream.indirect_vreg.gather [hbm4b:s6+s3], $0x80, v4, vm0, $0xb8;
	[tilespmem:$0x10400] =	vst v63  }
0x51: {  	_ = 	snop  }
0x52: {  	[tilespmem:s17], [sflag:$0x2] =	stream.indirect_vreg.gather [hbm4b:s7+s3], $0x80, v4, vm0, $0xb8;
	[tilespmem:$0x10400] =	vst v63  }
0x53: {  	_ = 	snop  }
0x54: {  	[tilespmem:s18], [sflag:$0x2] =	stream.indirect_vreg.gather [hbm4b:s1+s3], $0x80, v3, vm0, $0xb8;
	[tilespmem:$0x10400] =	vst v63  }
0x55: {  	_ = 	snop  }
0x56: {  	[tilespmem:s10], [sflag:$0x2] =	stream.indirect_vreg.gather [hbm4b:s5+s3], $0x80, v3, vm0, $0xb8;
	[tilespmem:$0x10400] =	vst v63  }
0x57: {  	s21 =	simm.s32 $0xB400  }
0x58: {  	[tilespmem:s21], [sflag:$0x2] =	stream.indirect_vreg.gather [hbm4b:s6+s3], $0x80, v3, vm0, $0xb8;
	[tilespmem:$0x10400] =	vst v63  }
0x59: {  	s21 =	simm.s32 $0xBC00  }
0x5a: {  	[tilespmem:s21], [sflag:$0x2] =	stream.indirect_vreg.gather [hbm4b:s7+s3], $0x80, v3, vm0, $0xb8;
	[tilespmem:$0x10400] =	vst v63  }
0x5b: {  	v3 =	vld [tilespmem:$0x90];
	_ =	sdelay $0x4  }
0x5c: {  	v55 =	vshll.u32 v3, $0x3  }
0x5d: {  	v3 =	vand.u32 $0x7, v3;
	v4 =	vand.u32 $0xFFFFFFC0, v55  }
0x5e: {  	v3 =	vor.u32 v3, v4  }
0x5f: {  	v4 =	vperm.xlane v3, v0;
	_ =	sdelay $0x1  }
0x60: {  	v4 =	vadd.s32 v1, v4;
	_ =	sdelay $0x3  }
0x61: {  	s21 =	simm.s32 $0xC400  }
0x62: {  	[tilespmem:s21], [sflag:$0x2] =	stream.indirect_vreg.gather [hbm4b:s1+s3], $0x80, v4, vm0, $0xb8;
	[tilespmem:$0x10400] =	vst v63  }
0x63: {  	v3 =	vperm.xlane v3, v2;
	s21 =	simm.s32 $0xCC00  }
0x64: {  	[tilespmem:s21], [sflag:$0x2] =	stream.indirect_vreg.gather [hbm4b:s5+s3], $0x80, v4, vm0, $0xb8;
	[tilespmem:$0x10400] =	vst v63  }
0x65: {  	v3 =	vadd.s32 v1, v3;
	s21 =	simm.s32 $0xD400  }
0x66: {  	[tilespmem:s21], [sflag:$0x2] =	stream.indirect_vreg.gather [hbm4b:s6+s3], $0x80, v4, vm0, $0xb8;
	[tilespmem:$0x10400] =	vst v63  }
0x67: {  	s21 =	simm.s32 $0xDC00  }
0x68: {  	[tilespmem:s21], [sflag:$0x2] =	stream.indirect_vreg.gather [hbm4b:s7+s3], $0x80, v4, vm0, $0xb8;
	[tilespmem:$0x10400] =	vst v63  }
0x69: {  	s21 =	simm.s32 $0xE400  }
0x6a: {  	[tilespmem:s21], [sflag:$0x2] =	stream.indirect_vreg.gather [hbm4b:s1+s3], $0x80, v3, vm0, $0xb8;
	[tilespmem:$0x10400] =	vst v63  }
0x6b: {  	s21 =	simm.s32 $0xEC00  }
0x6c: {  	[tilespmem:s21], [sflag:$0x2] =	stream.indirect_vreg.gather [hbm4b:s5+s3], $0x80, v3, vm0, $0xb8;
	[tilespmem:$0x10400] =	vst v63  }
0x6d: {  	s21 =	simm.s32 $0xF400  }
0x6e: {  	[tilespmem:s21], [sflag:$0x2] =	stream.indirect_vreg.gather [hbm4b:s6+s3], $0x80, v3, vm0, $0xb8;
	[tilespmem:$0x10400] =	vst v63  }
0x6f: {  	s21 =	simm.s32 $0xFC00  }
0x70: {  	[tilespmem:s21], [sflag:$0x2] =	stream.indirect_vreg.gather [hbm4b:s7+s3], $0x80, v3, vm0, $0xb8;
	[tilespmem:$0x10400] =	vst v63  }
0x71: {  	_ =	swait.ge [sflag:s19], $0x8000  }
0x72: {  	[sflag:s19] =	ssyncset.done $0x0  }
0x73: {  	[sflag:s19] =	ssyncadd.s32 $0xFFFF8000  }
0x74: {  	_ =	swait.ge [sflag:s20], $0x8000  }
0x75: {  	[sflag:s20] =	ssyncset.done $0x0  }
0x76: {  	s21 =	rddreg [dreg:$0xa];
	[sflag:s20] =	ssyncadd.s32 $0xFFFF8000  }
0x77: {  	[hbm4b:s21+s3] =	stream.linear.scatter [tilespmem:s26], [sflag:$0x3], $0x8000, $0x38;
	[tilespmem:$0x10400] =	vst v63  }
0x78: {  	_ =	swait.ge [sflag:s9], $0x8000  }
0x79: {  	[sflag:s9] =	ssyncset.done $0x0  }
0x7a: {  	s21 =	rddreg [dreg:$0x5];
	[sflag:s9] =	ssyncadd.s32 $0xFFFF8000  }
0x7b: {  	[hbm4b:s21+s3] =	stream.linear.scatter [tilespmem:s0], [sflag:$0x3], $0x8000, $0x38;
	[tilespmem:$0x10400] =	vst v63  }
0x7c: {  	_ =	swait.ge [sflag:s9], $0x8000  }
0x7d: {  	[sflag:s9] =	ssyncset.done $0x0  }
0x7e: {  	[sflag:s9] =	ssyncadd.s32 $0xFFFF8000  }
0x7f: {  	v3 =	vld [tilespmem:$0x100];
	_ =	sdelay $0x4  }
0x80: {  	v56 =	vshll.u32 v3, $0x3  }
0x81: {  	v3 =	vand.u32 $0x7, v3;
	v4 =	vand.u32 $0xFFFFFFC0, v56  }
0x82: {  	v3 =	vor.u32 v3, v4  }
0x83: {  	v4 =	vperm.xlane v3, v0;
	_ =	sdelay $0x1  }
0x84: {  	v4 =	vadd.s32 v1, v4;
	_ =	sdelay $0x4  }
0x85: {  	[tilespmem:s26], [sflag:$0x1] =	stream.indirect_vreg.gather [hbm4b:s1+s3], $0x80, v4, vm0, $0xb8;
	[tilespmem:$0x10400] =	vst v63  }
0x86: {  	v3 =	vperm.xlane v3, v2  }
0x87: {  	[tilespmem:s22], [sflag:$0x1] =	stream.indirect_vreg.gather [hbm4b:s5+s3], $0x80, v4, vm0, $0xb8;
	[tilespmem:$0x10400] =	vst v63  }
0x88: {  	v3 =	vadd.s32 v1, v3  }
0x89: {  	[tilespmem:s23], [sflag:$0x1] =	stream.indirect_vreg.gather [hbm4b:s6+s3], $0x80, v4, vm0, $0xb8;
	[tilespmem:$0x10400] =	vst v63  }
0x8a: {  	_ = 	snop  }
0x8b: {  	[tilespmem:s24], [sflag:$0x1] =	stream.indirect_vreg.gather [hbm4b:s7+s3], $0x80, v4, vm0, $0xb8;
	[tilespmem:$0x10400] =	vst v63  }
0x8c: {  	_ = 	snop  }
0x8d: {  	[tilespmem:s25], [sflag:$0x1] =	stream.indirect_vreg.gather [hbm4b:s1+s3], $0x80, v3, vm0, $0xb8;
	[tilespmem:$0x10400] =	vst v63  }
0x8e: {  	_ = 	snop  }
0x8f: {  	[tilespmem:s28], [sflag:$0x1] =	stream.indirect_vreg.gather [hbm4b:s5+s3], $0x80, v3, vm0, $0xb8;
	[tilespmem:$0x10400] =	vst v63  }
0x90: {  	_ = 	snop  }
0x91: {  	[tilespmem:s29], [sflag:$0x1] =	stream.indirect_vreg.gather [hbm4b:s6+s3], $0x80, v3, vm0, $0xb8;
	[tilespmem:$0x10400] =	vst v63  }
0x92: {  	_ = 	snop  }
0x93: {  	[tilespmem:s30], [sflag:$0x1] =	stream.indirect_vreg.gather [hbm4b:s7+s3], $0x80, v3, vm0, $0xb8;
	[tilespmem:$0x10400] =	vst v63  }
0x94: {  	v3 =	vld [tilespmem:$0x110];
	_ =	sdelay $0x4  }
0x95: {  	v57 =	vshll.u32 v3, $0x3  }
0x96: {  	v3 =	vand.u32 $0x7, v3;
	v4 =	vand.u32 $0xFFFFFFC0, v57  }
0x97: {  	v3 =	vor.u32 v3, v4  }
0x98: {  	v4 =	vperm.xlane v3, v0;
	_ =	sdelay $0x1  }
0x99: {  	v4 =	vadd.s32 v1, v4;
	_ =	sdelay $0x4  }
0x9a: {  	[tilespmem:s31], [sflag:$0x1] =	stream.indirect_vreg.gather [hbm4b:s1+s3], $0x80, v4, vm0, $0xb8;
	[tilespmem:$0x10400] =	vst v63  }
0x9b: {  	v3 =	vperm.xlane v3, v2  }
0x9c: {  	[tilespmem:s2], [sflag:$0x1] =	stream.indirect_vreg.gather [hbm4b:s5+s3], $0x80, v4, vm0, $0xb8;
	[tilespmem:$0x10400] =	vst v63  }
0x9d: {  	s21 =	simm.s32 $0x5400;
	v3 =	vadd.s32 v1, v3  }
0x9e: {  	[tilespmem:s21], [sflag:$0x1] =	stream.indirect_vreg.gather [hbm4b:s6+s3], $0x80, v4, vm0, $0xb8;
	[tilespmem:$0x10400] =	vst v63  }
0x9f: {  	_ = 	snop  }
0xa0: {  	[tilespmem:s4], [sflag:$0x1] =	stream.indirect_vreg.gather [hbm4b:s7+s3], $0x80, v4, vm0, $0xb8;
	[tilespmem:$0x10400] =	vst v63  }
0xa1: {  	_ = 	snop  }
0xa2: {  	[tilespmem:s11], [sflag:$0x1] =	stream.indirect_vreg.gather [hbm4b:s1+s3], $0x80, v3, vm0, $0xb8;
	[tilespmem:$0x10400] =	vst v63  }
0xa3: {  	_ = 	snop  }
0xa4: {  	[tilespmem:s12], [sflag:$0x1] =	stream.indirect_vreg.gather [hbm4b:s5+s3], $0x80, v3, vm0, $0xb8;
	[tilespmem:$0x10400] =	vst v63  }
0xa5: {  	_ = 	snop  }
0xa6: {  	[tilespmem:s13], [sflag:$0x1] =	stream.indirect_vreg.gather [hbm4b:s6+s3], $0x80, v3, vm0, $0xb8;
	[tilespmem:$0x10400] =	vst v63  }
0xa7: {  	_ = 	snop  }
0xa8: {  	[tilespmem:s14], [sflag:$0x1] =	stream.indirect_vreg.gather [hbm4b:s7+s3], $0x80, v3, vm0, $0xb8;
	[tilespmem:$0x10400] =	vst v63  }
0xa9: {  	v3 =	vld [tilespmem:$0x180];
	_ =	sdelay $0x4  }
0xaa: {  	v58 =	vshll.u32 v3, $0x3  }
0xab: {  	v3 =	vand.u32 $0x7, v3;
	v4 =	vand.u32 $0xFFFFFFC0, v58  }
0xac: {  	v3 =	vor.u32 v3, v4  }
0xad: {  	v4 =	vperm.xlane v3, v0;
	_ =	sdelay $0x1  }
0xae: {  	v4 =	vadd.s32 v1, v4;
	_ =	sdelay $0x4  }
0xaf: {  	[tilespmem:s0], [sflag:$0x2] =	stream.indirect_vreg.gather [hbm4b:s1+s3], $0x80, v4, vm0, $0xb8;
	[tilespmem:$0x10400] =	vst v63  }
0xb0: {  	v3 =	vperm.xlane v3, v2  }
0xb1: {  	[tilespmem:s15], [sflag:$0x2] =	stream.indirect_vreg.gather [hbm4b:s5+s3], $0x80, v4, vm0, $0xb8;
	[tilespmem:$0x10400] =	vst v63  }
0xb2: {  	v3 =	vadd.s32 v1, v3  }
0xb3: {  	[tilespmem:s16], [sflag:$0x2] =	stream.indirect_vreg.gather [hbm4b:s6+s3], $0x80, v4, vm0, $0xb8;
	[tilespmem:$0x10400] =	vst v63  }
0xb4: {  	_ = 	snop  }
0xb5: {  	[tilespmem:s17], [sflag:$0x2] =	stream.indirect_vreg.gather [hbm4b:s7+s3], $0x80, v4, vm0, $0xb8;
	[tilespmem:$0x10400] =	vst v63  }
0xb6: {  	_ = 	snop  }
0xb7: {  	[tilespmem:s18], [sflag:$0x2] =	stream.indirect_vreg.gather [hbm4b:s1+s3], $0x80, v3, vm0, $0xb8;
	[tilespmem:$0x10400] =	vst v63  }
0xb8: {  	_ = 	snop  }
0xb9: {  	[tilespmem:s10], [sflag:$0x2] =	stream.indirect_vreg.gather [hbm4b:s5+s3], $0x80, v3, vm0, $0xb8;
	[tilespmem:$0x10400] =	vst v63  }
0xba: {  	s21 =	simm.s32 $0xB400  }
0xbb: {  	[tilespmem:s21], [sflag:$0x2] =	stream.indirect_vreg.gather [hbm4b:s6+s3], $0x80, v3, vm0, $0xb8;
	[tilespmem:$0x10400] =	vst v63  }
0xbc: {  	s21 =	simm.s32 $0xBC00  }
0xbd: {  	[tilespmem:s21], [sflag:$0x2] =	stream.indirect_vreg.gather [hbm4b:s7+s3], $0x80, v3, vm0, $0xb8;
	[tilespmem:$0x10400] =	vst v63  }
0xbe: {  	v3 =	vld [tilespmem:$0x190];
	_ =	sdelay $0x4  }
0xbf: {  	v59 =	vshll.u32 v3, $0x3  }
0xc0: {  	v3 =	vand.u32 $0x7, v3;
	v4 =	vand.u32 $0xFFFFFFC0, v59  }
0xc1: {  	v3 =	vor.u32 v3, v4  }
0xc2: {  	v4 =	vperm.xlane v3, v0;
	_ =	sdelay $0x1  }
0xc3: {  	v4 =	vadd.s32 v1, v4;
	_ =	sdelay $0x3  }
0xc4: {  	s21 =	simm.s32 $0xC400  }
0xc5: {  	[tilespmem:s21], [sflag:$0x2] =	stream.indirect_vreg.gather [hbm4b:s1+s3], $0x80, v4, vm0, $0xb8;
	[tilespmem:$0x10400] =	vst v63  }
0xc6: {  	v3 =	vperm.xlane v3, v2;
	s21 =	simm.s32 $0xCC00  }
0xc7: {  	[tilespmem:s21], [sflag:$0x2] =	stream.indirect_vreg.gather [hbm4b:s5+s3], $0x80, v4, vm0, $0xb8;
	[tilespmem:$0x10400] =	vst v63  }
0xc8: {  	v3 =	vadd.s32 v1, v3;
	s21 =	simm.s32 $0xD400  }
0xc9: {  	[tilespmem:s21], [sflag:$0x2] =	stream.indirect_vreg.gather [hbm4b:s6+s3], $0x80, v4, vm0, $0xb8;
	[tilespmem:$0x10400] =	vst v63  }
0xca: {  	s21 =	simm.s32 $0xDC00  }
0xcb: {  	[tilespmem:s21], [sflag:$0x2] =	stream.indirect_vreg.gather [hbm4b:s7+s3], $0x80, v4, vm0, $0xb8;
	[tilespmem:$0x10400] =	vst v63  }
0xcc: {  	s21 =	simm.s32 $0xE400  }
0xcd: {  	[tilespmem:s21], [sflag:$0x2] =	stream.indirect_vreg.gather [hbm4b:s1+s3], $0x80, v3, vm0, $0xb8;
	[tilespmem:$0x10400] =	vst v63  }
0xce: {  	s21 =	simm.s32 $0xEC00  }
0xcf: {  	[tilespmem:s21], [sflag:$0x2] =	stream.indirect_vreg.gather [hbm4b:s5+s3], $0x80, v3, vm0, $0xb8;
	[tilespmem:$0x10400] =	vst v63  }
0xd0: {  	s21 =	simm.s32 $0xF400  }
0xd1: {  	[tilespmem:s21], [sflag:$0x2] =	stream.indirect_vreg.gather [hbm4b:s6+s3], $0x80, v3, vm0, $0xb8;
	[tilespmem:$0x10400] =	vst v63  }
0xd2: {  	s21 =	simm.s32 $0xFC00  }
0xd3: {  	[tilespmem:s21], [sflag:$0x2] =	stream.indirect_vreg.gather [hbm4b:s7+s3], $0x80, v3, vm0, $0xb8;
	[tilespmem:$0x10400] =	vst v63  }
0xd4: {  	_ =	swait.ge [sflag:s19], $0x8000  }
0xd5: {  	[sflag:s19] =	ssyncset.done $0x0  }
0xd6: {  	[sflag:s19] =	ssyncadd.s32 $0xFFFF8000  }
0xd7: {  	_ =	swait.ge [sflag:s20], $0x8000  }
0xd8: {  	[sflag:s20] =	ssyncset.done $0x0  }
0xd9: {  	s21 =	rddreg [dreg:$0x6];
	[sflag:s20] =	ssyncadd.s32 $0xFFFF8000  }
0xda: {  	[hbm4b:s21+s3] =	stream.linear.scatter [tilespmem:s26], [sflag:$0x3], $0x8000, $0x38;
	[tilespmem:$0x10400] =	vst v63  }
0xdb: {  	_ =	swait.ge [sflag:s9], $0x8000  }
0xdc: {  	[sflag:s9] =	ssyncset.done $0x0  }
0xdd: {  	s21 =	rddreg [dreg:$0x7];
	[sflag:s9] =	ssyncadd.s32 $0xFFFF8000  }
0xde: {  	[hbm4b:s21+s3] =	stream.linear.scatter [tilespmem:s0], [sflag:$0x3], $0x8000, $0x38;
	[tilespmem:$0x10400] =	vst v63  }
0xdf: {  	_ =	swait.ge [sflag:s9], $0x8000  }
0xe0: {  	[sflag:s9] =	ssyncset.done $0x0  }
0xe1: {  	[sflag:s9] =	ssyncadd.s32 $0xFFFF8000  }
0xe2: {  	v3 =	vld [tilespmem:$0x200];
	_ =	sdelay $0x4  }
0xe3: {  	v60 =	vshll.u32 v3, $0x3  }
0xe4: {  	v3 =	vand.u32 $0x7, v3;
	v4 =	vand.u32 $0xFFFFFFC0, v60  }
0xe5: {  	v3 =	vor.u32 v3, v4  }
0xe6: {  	v4 =	vperm.xlane v3, v0;
	_ =	sdelay $0x1  }
0xe7: {  	v4 =	vadd.s32 v1, v4;
	_ =	sdelay $0x4  }
0xe8: {  	[tilespmem:s26], [sflag:$0x1] =	stream.indirect_vreg.gather [hbm4b:s1+s3], $0x80, v4, vm0, $0xb8;
	[tilespmem:$0x10400] =	vst v63  }
0xe9: {  	v3 =	vperm.xlane v3, v2  }
0xea: {  	[tilespmem:s22], [sflag:$0x1] =	stream.indirect_vreg.gather [hbm4b:s5+s3], $0x80, v4, vm0, $0xb8;
	[tilespmem:$0x10400] =	vst v63  }
0xeb: {  	v3 =	vadd.s32 v1, v3  }
0xec: {  	[tilespmem:s23], [sflag:$0x1] =	stream.indirect_vreg.gather [hbm4b:s6+s3], $0x80, v4, vm0, $0xb8;
	[tilespmem:$0x10400] =	vst v63  }
0xed: {  	_ = 	snop  }
0xee: {  	[tilespmem:s24], [sflag:$0x1] =	stream.indirect_vreg.gather [hbm4b:s7+s3], $0x80, v4, vm0, $0xb8;
	[tilespmem:$0x10400] =	vst v63  }
0xef: {  	_ = 	snop  }
0xf0: {  	[tilespmem:s25], [sflag:$0x1] =	stream.indirect_vreg.gather [hbm4b:s1+s3], $0x80, v3, vm0, $0xb8;
	[tilespmem:$0x10400] =	vst v63  }
0xf1: {  	_ = 	snop  }
0xf2: {  	[tilespmem:s28], [sflag:$0x1] =	stream.indirect_vreg.gather [hbm4b:s5+s3], $0x80, v3, vm0, $0xb8;
	[tilespmem:$0x10400] =	vst v63  }
0xf3: {  	_ = 	snop  }
0xf4: {  	[tilespmem:s29], [sflag:$0x1] =	stream.indirect_vreg.gather [hbm4b:s6+s3], $0x80, v3, vm0, $0xb8;
	[tilespmem:$0x10400] =	vst v63  }
0xf5: {  	_ = 	snop  }
0xf6: {  	[tilespmem:s30], [sflag:$0x1] =	stream.indirect_vreg.gather [hbm4b:s7+s3], $0x80, v3, vm0, $0xb8;
	[tilespmem:$0x10400] =	vst v63  }
0xf7: {  	v3 =	vld [tilespmem:$0x210];
	_ =	sdelay $0x4  }
0xf8: {  	v61 =	vshll.u32 v3, $0x3  }
0xf9: {  	v3 =	vand.u32 $0x7, v3;
	v4 =	vand.u32 $0xFFFFFFC0, v61  }
0xfa: {  	v3 =	vor.u32 v3, v4  }
0xfb: {  	v4 =	vperm.xlane v3, v0;
	_ =	sdelay $0x1  }
0xfc: {  	v4 =	vadd.s32 v1, v4;
	_ =	sdelay $0x4  }
0xfd: {  	[tilespmem:s31], [sflag:$0x1] =	stream.indirect_vreg.gather [hbm4b:s1+s3], $0x80, v4, vm0, $0xb8;
	[tilespmem:$0x10400] =	vst v63  }
0xfe: {  	v3 =	vperm.xlane v3, v2  }
0xff: {  	[tilespmem:s2], [sflag:$0x1] =	stream.indirect_vreg.gather [hbm4b:s5+s3], $0x80, v4, vm0, $0xb8;
	[tilespmem:$0x10400] =	vst v63  }
0x100: {  	s21 =	simm.s32 $0x5400;
	v3 =	vadd.s32 v1, v3  }
0x101: {  	[tilespmem:s21], [sflag:$0x1] =	stream.indirect_vreg.gather [hbm4b:s6+s3], $0x80, v4, vm0, $0xb8;
	[tilespmem:$0x10400] =	vst v63  }
0x102: {  	_ = 	snop  }
0x103: {  	[tilespmem:s4], [sflag:$0x1] =	stream.indirect_vreg.gather [hbm4b:s7+s3], $0x80, v4, vm0, $0xb8;
	[tilespmem:$0x10400] =	vst v63  }
0x104: {  	_ = 	snop  }
0x105: {  	[tilespmem:s11], [sflag:$0x1] =	stream.indirect_vreg.gather [hbm4b:s1+s3], $0x80, v3, vm0, $0xb8;
	[tilespmem:$0x10400] =	vst v63  }
0x106: {  	_ = 	snop  }
0x107: {  	[tilespmem:s12], [sflag:$0x1] =	stream.indirect_vreg.gather [hbm4b:s5+s3], $0x80, v3, vm0, $0xb8;
	[tilespmem:$0x10400] =	vst v63  }
0x108: {  	_ = 	snop  }
0x109: {  	[tilespmem:s13], [sflag:$0x1] =	stream.indirect_vreg.gather [hbm4b:s6+s3], $0x80, v3, vm0, $0xb8;
	[tilespmem:$0x10400] =	vst v63  }
0x10a: {  	_ = 	snop  }
0x10b: {  	[tilespmem:s14], [sflag:$0x1] =	stream.indirect_vreg.gather [hbm4b:s7+s3], $0x80, v3, vm0, $0xb8;
	[tilespmem:$0x10400] =	vst v63  }
0x10c: {  	v3 =	vld [tilespmem:$0x280];
	_ =	sdelay $0x4  }
0x10d: {  	v62 =	vshll.u32 v3, $0x3  }
0x10e: {  	v3 =	vand.u32 $0x7, v3;
	v4 =	vand.u32 $0xFFFFFFC0, v62  }
0x10f: {  	v3 =	vor.u32 v3, v4  }
0x110: {  	v4 =	vperm.xlane v3, v0;
	_ =	sdelay $0x1  }
0x111: {  	v4 =	vadd.s32 v1, v4;
	_ =	sdelay $0x4  }
0x112: {  	[tilespmem:s0], [sflag:$0x2] =	stream.indirect_vreg.gather [hbm4b:s1+s3], $0x80, v4, vm0, $0xb8;
	[tilespmem:$0x10400] =	vst v63  }
0x113: {  	v3 =	vperm.xlane v3, v2  }
0x114: {  	[tilespmem:s15], [sflag:$0x2] =	stream.indirect_vreg.gather [hbm4b:s5+s3], $0x80, v4, vm0, $0xb8;
	[tilespmem:$0x10400] =	vst v63  }
0x115: {  	v3 =	vadd.s32 v1, v3  }
0x116: {  	[tilespmem:s16], [sflag:$0x2] =	stream.indirect_vreg.gather [hbm4b:s6+s3], $0x80, v4, vm0, $0xb8;
	[tilespmem:$0x10400] =	vst v63  }
0x117: {  	_ = 	snop  }
0x118: {  	[tilespmem:s17], [sflag:$0x2] =	stream.indirect_vreg.gather [hbm4b:s7+s3], $0x80, v4, vm0, $0xb8;
	[tilespmem:$0x10400] =	vst v63  }
0x119: {  	_ = 	snop  }
0x11a: {  	[tilespmem:s18], [sflag:$0x2] =	stream.indirect_vreg.gather [hbm4b:s1+s3], $0x80, v3, vm0, $0xb8;
	[tilespmem:$0x10400] =	vst v63  }
0x11b: {  	_ = 	snop  }
0x11c: {  	[tilespmem:s10], [sflag:$0x2] =	stream.indirect_vreg.gather [hbm4b:s5+s3], $0x80, v3, vm0, $0xb8;
	[tilespmem:$0x10400] =	vst v63  }
0x11d: {  	s21 =	simm.s32 $0xB400  }
0x11e: {  	[tilespmem:s21], [sflag:$0x2] =	stream.indirect_vreg.gather [hbm4b:s6+s3], $0x80, v3, vm0, $0xb8;
	[tilespmem:$0x10400] =	vst v63  }
0x11f: {  	s21 =	simm.s32 $0xBC00  }
0x120: {  	[tilespmem:s21], [sflag:$0x2] =	stream.indirect_vreg.gather [hbm4b:s7+s3], $0x80, v3, vm0, $0xb8;
	[tilespmem:$0x10400] =	vst v63  }
0x121: {  	v3 =	vld [tilespmem:$0x290];
	_ =	sdelay $0x4  }
0x122: {  	v63 =	vshll.u32 v3, $0x3  }
0x123: {  	v3 =	vand.u32 $0x7, v3;
	v4 =	vand.u32 $0xFFFFFFC0, v63  }
0x124: {  	v3 =	vor.u32 v3, v4  }
0x125: {  	v4 =	vperm.xlane v3, v0;
	_ =	sdelay $0x1  }
0x126: {  	v4 =	vadd.s32 v1, v4;
	_ =	sdelay $0x3  }
0x127: {  	s21 =	simm.s32 $0xC400  }
0x128: {  	[tilespmem:s21], [sflag:$0x2] =	stream.indirect_vreg.gather [hbm4b:s1+s3], $0x80, v4, vm0, $0xb8;
	[tilespmem:$0x10400] =	vst v63  }
0x129: {  	v3 =	vperm.xlane v3, v2;
	s21 =	simm.s32 $0xCC00  }
0x12a: {  	[tilespmem:s21], [sflag:$0x2] =	stream.indirect_vreg.gather [hbm4b:s5+s3], $0x80, v4, vm0, $0xb8;
	[tilespmem:$0x10400] =	vst v63  }
0x12b: {  	v3 =	vadd.s32 v1, v3;
	s21 =	simm.s32 $0xD400  }
0x12c: {  	[tilespmem:s21], [sflag:$0x2] =	stream.indirect_vreg.gather [hbm4b:s6+s3], $0x80, v4, vm0, $0xb8;
	[tilespmem:$0x10400] =	vst v63  }
0x12d: {  	s21 =	simm.s32 $0xDC00  }
0x12e: {  	[tilespmem:s21], [sflag:$0x2] =	stream.indirect_vreg.gather [hbm4b:s7+s3], $0x80, v4, vm0, $0xb8;
	[tilespmem:$0x10400] =	vst v63  }
0x12f: {  	s21 =	simm.s32 $0xE400  }
0x130: {  	[tilespmem:s21], [sflag:$0x2] =	stream.indirect_vreg.gather [hbm4b:s1+s3], $0x80, v3, vm0, $0xb8;
	[tilespmem:$0x10400] =	vst v63  }
0x131: {  	s21 =	simm.s32 $0xEC00  }
0x132: {  	[tilespmem:s21], [sflag:$0x2] =	stream.indirect_vreg.gather [hbm4b:s5+s3], $0x80, v3, vm0, $0xb8;
	[tilespmem:$0x10400] =	vst v63  }
0x133: {  	s21 =	simm.s32 $0xF400  }
0x134: {  	[tilespmem:s21], [sflag:$0x2] =	stream.indirect_vreg.gather [hbm4b:s6+s3], $0x80, v3, vm0, $0xb8;
	[tilespmem:$0x10400] =	vst v63  }
0x135: {  	s21 =	simm.s32 $0xFC00  }
0x136: {  	[tilespmem:s21], [sflag:$0x2] =	stream.indirect_vreg.gather [hbm4b:s7+s3], $0x80, v3, vm0, $0xb8;
	[tilespmem:$0x10400] =	vst v63  }
0x137: {  	_ =	swait.ge [sflag:s19], $0x8000  }
0x138: {  	[sflag:s19] =	ssyncset.done $0x0  }
0x139: {  	[sflag:s19] =	ssyncadd.s32 $0xFFFF8000  }
0x13a: {  	_ =	swait.ge [sflag:s20], $0x8000  }
0x13b: {  	[sflag:s20] =	ssyncset.done $0x0  }
0x13c: {  	s2 =	rddreg [dreg:$0x8];
	[sflag:s20] =	ssyncadd.s32 $0xFFFF8000  }
0x13d: {  	[hbm4b:s2+s3] =	stream.linear.scatter [tilespmem:s26], [sflag:$0x3], $0x8000, $0x38;
	[tilespmem:$0x10400] =	vst v63  }
0x13e: {  	_ =	swait.ge [sflag:s9], $0x8000  }
0x13f: {  	p0 =	sne.s32 s8, $0x1;
	[sflag:s9] =	ssyncset.done $0x0  }
.Ltmp0:
0x140: {  	s2 =	rddreg [dreg:$0x9];
	[sflag:s9] =	ssyncadd.s32 $0xFFFF8000;
	(pc) =	sbr.rel @p0 .LBB2_1-.Ltmp0, $4  }
0x141: {  	[hbm4b:s2+s3] =	stream.linear.scatter [tilespmem:s0], [sflag:$0x3], $0x8000, $0x38;
	[tilespmem:$0x10400] =	vst v63  }
0x142: {  	_ =	swait.ge [sflag:s9], $0x8000  }
0x143: {  	[sflag:s9] =	ssyncset.done $0x0  }
0x144: {  	s8 =	sadd.s32 $0xFFFFFFFF, s8;
	[sflag:s9] =	ssyncadd.s32 $0xFFFF8000  }
0x145: {  	_ =	sfence.sel $0x180000  }
0x146: {  	[bflag:$0x0] =	sbarrier.arrive $0xFFFF  }
0x147: {  	_ =	strace $0x90000047  }
0x148: {  	s0 =	stileid.u32;
	[bflag:$0x2] =	sbarrier.arrive $0xFFFF  }
0x149: {  	p0 =	sne.s32 s0, $0x0;
	s0 =	rddreg [dreg:$0x3]  }
0x14a: {  	s0 =	sadd.s32 @!p0 $0x100000, s0  }
0x14b: {  	[sflag:s0] =	ssyncadd.tile.s32 @!p0 $0x1;
	_ =	shalt  }
.Lfunc_end2:
_tile_overlayer_lowered:
.L_overlay_start_2:
0x14c: {  	(tag) =	ssettag $0x2  }
0x14d: {  	s0 =	rddreg [dreg:$0x0];
	s2 =	stileid.u32  }
0x14e: {  	s1 =	rddreg [dreg:$0x1];
	p0 =	sne.s32 s2, $0x0  }
0x14f: {  	s3 =	rddreg [dreg:$0x2];
	[bflag:$0x3] =	sbarrier.arrive $0xFFFF;
	s2 =	simm.s32 @!p0 $0x1C03  }
0x150: {  	[timem:s3], [sflag:s2] =	dma.local @!p0 [hbm:s0], s1  }
0x151: {  	s0 =	simm.s32 @!p0 $0x3  }
0x152: {  	_ =	swait.ge @!p0 [sflag:s0], s1  }
0x153: {  	s1 =	ssub.s32 @!p0 $0x0, s1;
	[sflag:s0] =	ssyncset.done @!p0 $0x0  }
0x154: {  	[sflag:s0] =	ssyncadd.s32 @!p0 s1  }
0x155: {  	[bflag:$0x3] =	sbarrier.arrive $0xFFFF  }
0x156: {  	_ =	shalt  }

</sc_bundles>
